<compile_context>
chip_gen: v7x
topology: tpu7x:2x2x1
jax: 0.10.2.dev20260603
libtpu: 0.0.44.dev20260713+nightly
codegen_flags: <defaults>
</compile_context>

<pallas_src>
import functools

import jax
import jax.numpy as jnp
import numpy as np
from jax import lax
from jax.experimental import pallas as pl
from jax.experimental.pallas import tpu as pltpu
from jax.experimental.pallas import tpu_sc as plsc

_V = 100000
_NS = 26
_E = 32

_NC = 2
_NSUB = 16
_NW = _NC * _NSUB


def _tc_transpose_tables(tab_t):
    Q = _V // 4

    SUB = 12500

    def body(in_ref, out_ref):
        for k in range(4):
            for q in range(Q // SUB):
                out_ref[pl.ds(SUB * q, SUB), 32 * k:32 * (k + 1)] = (
                    in_ref[0, :, Q * k + SUB * q:Q * k + SUB * (q + 1)].T)

    return pl.pallas_call(
        body,
        grid=(_NS,),
        in_specs=[pl.BlockSpec((1, _E, _V), lambda s: (s, 0, 0))],
        out_specs=pl.BlockSpec((Q, 128), lambda s: (s, 0)),
        out_shape=jax.ShapeDtypeStruct((_NS * Q, 128), jnp.float32),
        compiler_params=pltpu.CompilerParams(vmem_limit_bytes=60000 * 1024),
    )(tab_t)


def _sc_gather(tab_flat, idx4, rows, ch, nch, ipc):
    mesh = plsc.VectorSubcoreMesh(
        core_axis_name="c", subcore_axis_name="s",
        num_cores=_NC, num_subcores=_NSUB)
    rpw = rows // _NW

    @functools.partial(
        pl.kernel,
        out_type=jax.ShapeDtypeStruct((rows, _E), jnp.float32),
        mesh=mesh,
        compiler_params=pltpu.CompilerParams(use_tc_tiling_on_sc=False),
        scratch_types=[
            pltpu.VMEM((nch, ipc, 128), jnp.int32),
            pltpu.VMEM((ch, _E), jnp.float32),
            pltpu.VMEM((ch, _E), jnp.float32),
            pltpu.SemaphoreType.DMA,
            pltpu.SemaphoreType.DMA,
        ],
    )
    def gather_kernel(tab_hbm, idx_hbm, out_hbm, idx_v, buf0, buf1, sem0, sem1):
        wid = lax.axis_index("s") * _NC + lax.axis_index("c")
        pltpu.sync_copy(idx_hbm.at[wid], idx_v)
        base = wid * rpw

        def fire(c, buf, sem):
            return [
                pltpu.async_copy(tab_hbm.at[idx_v.at[c, r]],
                                 buf.at[pl.ds(r * 128, 128)], sem)
                for r in range(ipc)
            ]

        @pl.loop(0, nch, step=2)
        def _pair(c):
            h0 = fire(c, buf0, sem0)
            h1 = fire(c + 1, buf1, sem1)
            for h in h0:
                h.wait()
            pltpu.sync_copy(buf0, out_hbm.at[pl.ds(base + c * ch, ch)])
            for h in h1:
                h.wait()
            pltpu.sync_copy(buf1, out_hbm.at[pl.ds(base + (c + 1) * ch, ch)])

    return gather_kernel(tab_flat, idx4)


def _full(a):
    return pl.BlockSpec(a.shape, lambda i: (0,) * a.ndim)


def _tc_dense(dense_x, emb2, W0, b0, W1, b1, W2, b2, Mt, T0d, c0, T1, c1, T2, c2):
    B = dense_x.shape[0]
    BLK = 1024

    def body(dx_ref, emb_ref, W0r, b0r, W1r, b1r, W2r, b2r, Mtr, T0dr,
             c0r, T1r, c1r, T2r, c2r, out_ref):
        dx = dx_ref[...]
        h = jnp.maximum(dx @ W0r[...] + b0r[...], 0.0)
        h = jnp.maximum(h @ W1r[...] + b1r[...], 0.0)
        d = h @ W2r[...] + b2r[...]
        x = jnp.concatenate([d, emb_ref[...]], axis=1)
        x3 = x.reshape(BLK, 27, _E)
        z = lax.dot_general(x3, x3, (((2,), (2,)), ((0,), (0,))),
                            preferred_element_type=jnp.float32)
        t = jnp.maximum(z.reshape(BLK, 729) @ Mtr[...] + d @ T0dr[...]
                        + c0r[...], 0.0)
        t = jnp.maximum(t @ T1r[...] + c1r[...], 0.0)
        out_ref[...] = t @ T2r[...] + c2r[...]

    return pl.pallas_call(
        body,
        grid=(B // BLK,),
        in_specs=[
            pl.BlockSpec((BLK, dense_x.shape[1]), lambda i: (i, 0)),
            pl.BlockSpec((BLK, emb2.shape[1]), lambda i: (i, 0)),
            _full(W0), _full(b0), _full(W1), _full(b1), _full(W2), _full(b2),
            _full(Mt), _full(T0d), _full(c0), _full(T1), _full(c1), _full(T2),
            _full(c2),
        ],
        out_specs=pl.BlockSpec((BLK, 1), lambda i: (i, 0)),
        out_shape=jax.ShapeDtypeStruct((B, 1), jnp.float32),
    )(dense_x, emb2, W0, b0, W1, b1, W2, b2, Mt, T0d, c0, T1, c1, T2, c2)


def kernel(dense_x, sparse_x, tables, W0, b0, W1, b1, W2, b2, T0, c0, T1, c1, T2, c2):
    B = dense_x.shape[0]
    rows = B * _NS
    rpw = rows // _NW
    ch = 1664
    nch = rpw // ch
    ipc = ch // 128
    assert rows == _NW * nch * ipc * 128 and nch % 2 == 0

    tab_t = jnp.transpose(tables, (0, 2, 1))
    tab_rm = _tc_transpose_tables(tab_t).reshape(_NS * _V, _E)

    v = jnp.mod(sparse_x, _V)
    idx = ((jnp.arange(_NS, dtype=jnp.int32) * _V)[None, :]
           + 4 * (v % 25000) + v // 25000)
    idx4 = idx.reshape(_NW, nch, ipc, 128)

    emb_flat = _sc_gather(tab_rm, idx4, rows, ch, nch, ipc)
    emb2 = emb_flat.reshape(B, _NS * _E)

    iu0, iu1 = np.triu_indices(27, k=1)
    rows_m = jnp.asarray(iu0 * 27 + iu1, dtype=jnp.int32)
    Mt = jnp.zeros((729, 512), jnp.float32).at[rows_m].set(T0[:351])
    T0d = T0[351:]

    out2 = _tc_dense(dense_x, emb2, W0, b0.reshape(1, -1), W1, b1.reshape(1, -1),
                     W2, b2.reshape(1, -1), Mt, T0d, c0.reshape(1, -1),
                     T1, c1.reshape(1, -1), T2, c2.reshape(1, 1))
    return out2.reshape(B)

# --- scband reference (transcript-rebuilt; emitter-appended) ---
"""Pipeline reference for scband-dlrm-87540023427424 (READ-ONLY COPY).

The authoritative reference and input builder live on the scoring server;
editing this copy changes nothing except your own understanding.
"""

import jax, jax.numpy as jnp
import numpy as np

B = 16384
DENSE = 13
NS = 26
V = 100000
E = 32

def _xavier(key, shape):
    std = (2.0 / (shape[0] + shape[1])) ** 0.5
    return std * jax.random.normal(key, shape, dtype=jnp.float32)

def setup_inputs(seed: int = 0):
    key = jax.random.key(seed)
    ks = jax.random.split(key, 16)
    dense_x = jax.random.normal(ks[0], (B, DENSE), dtype=jnp.float32)
    sparse_x = jax.random.randint(ks[1], (B, NS), 0, V, dtype=jnp.int32)
    limit = (6.0 / (V + E)) ** 0.5
    tables = jax.random.uniform(ks[2], (NS, V, E), minval=-limit, maxval=limit, dtype=jnp.float32)
    W0 = _xavier(ks[3], (DENSE, 512)); b0 = jnp.zeros((512,), jnp.float32)
    W1 = _xavier(ks[4], (512, 256)); b1 = jnp.zeros((256,), jnp.float32)
    W2 = _xavier(ks[5], (256, E)); b2 = jnp.zeros((E,), jnp.float32)
    n_int = (NS + 1) * NS // 2
    T0 = _xavier(ks[6], (n_int + E, 512)); c0 = jnp.zeros((512,), jnp.float32)
    T1 = _xavier(ks[7], (512, 256)); c1 = jnp.zeros((256,), jnp.float32)
    T2 = _xavier(ks[8], (256, 1)); c2 = jnp.zeros((1,), jnp.float32)
    return {"dense_x": dense_x, "sparse_x": sparse_x, "tables": tables,
            "W0": W0, "b0": b0, "W1": W1, "b1": b1, "W2": W2, "b2": b2,
            "T0": T0, "c0": c0, "T1": T1, "c1": c1, "T2": T2, "c2": c2}

def reference(dense_x, sparse_x, tables, W0, b0, W1, b1, W2, b2, T0, c0, T1, c1, T2, c2):
    # bottom MLP: 13 -> 512 -> 256 -> 32 (relu on hidden layers, linear final)
    h = jax.nn.relu(dense_x @ W0 + b0)
    h = jax.nn.relu(h @ W1 + b1)
    d = h @ W2 + b2
    # embedding lookups (per-field mod, as in the flax module)
    idx = jnp.mod(sparse_x, V)
    emb = tables[jnp.arange(NS)[None, :], idx]  # [B, 26, 32]
    # pairwise dot-product interactions
    x = jnp.concatenate((d[:, None, :], emb), axis=1)  # [B, 27, 32]
    z = jnp.matmul(x, jnp.transpose(x, (0, 2, 1)))  # [B, 27, 27]
    iu = jnp.triu_indices(x.shape[1], k=1)
    feat = z[:, iu[0], iu[1]]  # [B, 351]
    t = jnp.concatenate((feat, d), axis=1)  # [B, 383]
    # top MLP: 383 -> 512 -> 256 -> 1
    t = jax.nn.relu(t @ T0 + c0)
    t = jax.nn.relu(t @ T1 + c1)
    out = (t @ T2 + c2).squeeze()
    return out

if __name__ == "__main__":
    import jax
    _d = setup_inputs()
    print(jax.jit(kernel)(*tuple(_d.values())))

</pallas_src>

<mosaic_0001>
#map = affine_map<(d0, d1) -> (0, 0)>
#map1 = affine_map<(d0, d1) -> (0, 0, 0, 0)>
module attributes {stable_mosaic.version = 14 : i64} {
  func.func @gather_kernel(%arg0: i32, %arg1: i32, %arg2: memref<2600000x32xf32, #tpu.memory_space<hbm>>, %arg3: memref<32x8x13x128xi32, #tpu.memory_space<hbm>>, %arg4: memref<425984x32xf32, #tpu.memory_space<hbm>>, %arg5: memref<8x13x128xi32, #tpu.memory_space<vmem>>, %arg6: memref<1664x32xf32, #tpu.memory_space<vmem>>, %arg7: memref<1664x32xf32, #tpu.memory_space<vmem>>, %arg8: memref<!tpu.dma_semaphore, #tpu.memory_space<semaphore_mem>>, %arg9: memref<!tpu.dma_semaphore, #tpu.memory_space<semaphore_mem>>) attributes {dimension_semantics = [#tpu.dimension_semantics<core_parallel>, #tpu.dimension_semantics<subcore_parallel>], iteration_bounds = array<i64: 2, 16>, scalar_prefetch = 0 : i64, scratch_operands = 5 : i64, tpu.core_type = #tpu.core_type<sc_vector_subcore>, window_params = [{transform_indices = #map}, {transform_indices = #map1}, {transform_indices = #map}]} {
    %mul3A = arith.constant 2 : i32
    %mul3A_0 = arith.muli %arg1, %mul3A : i32
    %add3A = arith.addi %mul3A_0, %arg0 : i32
    "tpu.region"() ({
      %run_scoped3A = tpu.sem_alloc : memref<!tpu.dma_semaphore, #tpu.memory_space<semaphore_mem>>
      %dma_start3A = arith.constant 0 : i32
      %dma_start3A_7 = arith.constant 0 : i32
      %dma_start3A_8 = arith.constant 0 : i32
      %dma_start3A_9 = tpu.memref_slice %arg3[%add3A, %dma_start3A, %dma_start3A_7, %dma_start3A_8] : memref<32x8x13x128xi32, #tpu.memory_space<hbm>> -> memref<1x8x13x128xi32, #tpu.memory_space<hbm>>
      %dma_start3A_10 = tpu.memref_squeeze %dma_start3A_9 : memref<1x8x13x128xi32, #tpu.memory_space<hbm>> -> memref<8x13x128xi32, #tpu.memory_space<hbm>>
      %dma_start3A_11 = arith.constant 0 : i32
      %dma_start3A_12 = arith.constant 0 : i32
      %dma_start3A_13 = arith.constant 0 : i32
      %dma_start3A_14 = tpu.memref_slice %arg3[%add3A, %dma_start3A_11, %dma_start3A_12, %dma_start3A_13] : memref<32x8x13x128xi32, #tpu.memory_space<hbm>> -> memref<1x8x13x128xi32, #tpu.memory_space<hbm>>
      %dma_start3A_15 = tpu.memref_squeeze %dma_start3A_14 : memref<1x8x13x128xi32, #tpu.memory_space<hbm>> -> memref<8x13x128xi32, #tpu.memory_space<hbm>>
      tpu.enqueue_dma source(%dma_start3A_15 : memref<8x13x128xi32, #tpu.memory_space<hbm>>) target(%arg5 : memref<8x13x128xi32, #tpu.memory_space<vmem>>) target_semaphore(%run_scoped3A : memref<!tpu.dma_semaphore, #tpu.memory_space<semaphore_mem>>)
      %dma_wait3A = arith.constant 0 : i32
      %dma_wait3A_16 = arith.constant 0 : i32
      %dma_wait3A_17 = arith.constant 0 : i32
      %dma_wait3A_18 = tpu.memref_slice %arg3[%add3A, %dma_wait3A, %dma_wait3A_16, %dma_wait3A_17] : memref<32x8x13x128xi32, #tpu.memory_space<hbm>> -> memref<1x8x13x128xi32, #tpu.memory_space<hbm>>
      %dma_wait3A_19 = tpu.memref_squeeze %dma_wait3A_18 : memref<1x8x13x128xi32, #tpu.memory_space<hbm>> -> memref<8x13x128xi32, #tpu.memory_space<hbm>>
      %dma_wait3A_20 = arith.constant 0 : i32
      %dma_wait3A_21 = arith.constant 0 : i32
      %dma_wait3A_22 = arith.constant 0 : i32
      %dma_wait3A_23 = tpu.memref_slice %arg3[%add3A, %dma_wait3A_20, %dma_wait3A_21, %dma_wait3A_22] : memref<32x8x13x128xi32, #tpu.memory_space<hbm>> -> memref<1x8x13x128xi32, #tpu.memory_space<hbm>>
      %dma_wait3A_24 = tpu.memref_squeeze %dma_wait3A_23 : memref<1x8x13x128xi32, #tpu.memory_space<hbm>> -> memref<8x13x128xi32, #tpu.memory_space<hbm>>
      tpu.wait_dma2 semaphore(%run_scoped3A : memref<!tpu.dma_semaphore, #tpu.memory_space<semaphore_mem>>) src(%dma_wait3A_24 : memref<8x13x128xi32, #tpu.memory_space<hbm>>) dst(%arg5 : memref<8x13x128xi32, #tpu.memory_space<vmem>>)
      tpu.yield
    }) : () -> ()
    %mul3A_1 = arith.constant 13312 : i32
    %mul3A_2 = arith.muli %add3A, %mul3A_1 : i32
    %scan3A = arith.constant 0 : i32
    %scan3A_3 = arith.constant 4 : i32
    %scan3A_4 = arith.addi %scan3A, %scan3A_3 : i32
    %scan3A_5 = arith.constant 1 : i32
    scf.for %scan3A_7 = %scan3A to %scan3A_4 step %scan3A_5  : i32 {
      %mul3A_8 = arith.constant 2 : i32
      %mul3A_9 = arith.muli %scan3A_7, %mul3A_8 : i32
      %add3A_10 = arith.constant 0 : i32
      %add3A_11 = arith.addi %add3A_10, %mul3A_9 : i32
      %dma_start3A = arith.constant 0 : i32
      %dma_start3A_12 = arith.constant 0 : i32
      %dma_start3A_13 = arith.constant 0 : i32
      %dma_start3A_14 = tpu.memref_slice %arg6[%dma_start3A_12, %dma_start3A_13] : memref<1664x32xf32, #tpu.memory_space<vmem>> -> memref<128x32xf32, #tpu.memory_space<vmem>>
      %dma_start3A_15 = arith.constant 0 : i32
      %dma_start3A_16 = tpu.memref_slice %arg5[%add3A_11, %dma_start3A, %dma_start3A_15] : memref<8x13x128xi32, #tpu.memory_space<vmem>> -> memref<1x1x128xi32, #tpu.memory_space<vmem>>
      %dma_start3A_17 = tpu.memref_squeeze %dma_start3A_16 : memref<1x1x128xi32, #tpu.memory_space<vmem>> -> memref<128xi32, #tpu.memory_space<vmem>>
      %dma_start3A_18 = arith.constant 0 : i32
      %dma_start3A_19 = arith.constant 0 : i32
      %dma_start3A_20 = tpu.memref_slice %arg2[%dma_start3A_18, %dma_start3A_19] : memref<2600000x32xf32, #tpu.memory_space<hbm>> -> memref<2600000x32xf32, #tpu.memory_space<hbm>>
      tpu.enqueue_indirect_dma source(%dma_start3A_20 : memref<2600000x32xf32, #tpu.memory_space<hbm>>) target(%dma_start3A_14 : memref<128x32xf32, #tpu.memory_space<vmem>>) offsets(%dma_start3A_17 : memref<128xi32, #tpu.memory_space<vmem>>) semaphore(%arg8 : memref<!tpu.dma_semaphore, #tpu.memory_space<semaphore_mem>>)
      %dma_start3A_21 = arith.constant 1 : i32
      %dma_start3A_22 = arith.constant 128 : i32
      %dma_start3A_23 = arith.constant 0 : i32
      %dma_start3A_24 = tpu.memref_slice %arg6[%dma_start3A_22, %dma_start3A_23] : memref<1664x32xf32, #tpu.memory_space<vmem>> -> memref<128x32xf32, #tpu.memory_space<vmem>>
      %dma_start3A_25 = arith.constant 0 : i32
      %dma_start3A_26 = tpu.memref_slice %arg5[%add3A_11, %dma_start3A_21, %dma_start3A_25] : memref<8x13x128xi32, #tpu.memory_space<vmem>> -> memref<1x1x128xi32, #tpu.memory_space<vmem>>
      %dma_start3A_27 = tpu.memref_squeeze %dma_start3A_26 : memref<1x1x128xi32, #tpu.memory_space<vmem>> -> memref<128xi32, #tpu.memory_space<vmem>>
      %dma_start3A_28 = arith.constant 0 : i32
      %dma_start3A_29 = arith.constant 0 : i32
      %dma_start3A_30 = tpu.memref_slice %arg2[%dma_start3A_28, %dma_start3A_29] : memref<2600000x32xf32, #tpu.memory_space<hbm>> -> memref<2600000x32xf32, #tpu.memory_space<hbm>>
      tpu.enqueue_indirect_dma source(%dma_start3A_30 : memref<2600000x32xf32, #tpu.memory_space<hbm>>) target(%dma_start3A_24 : memref<128x32xf32, #tpu.memory_space<vmem>>) offsets(%dma_start3A_27 : memref<128xi32, #tpu.memory_space<vmem>>) semaphore(%arg8 : memref<!tpu.dma_semaphore, #tpu.memory_space<semaphore_mem>>)
      %dma_start3A_31 = arith.constant 2 : i32
      %dma_start3A_32 = arith.constant 256 : i32
      %dma_start3A_33 = arith.constant 0 : i32
      %dma_start3A_34 = tpu.memref_slice %arg6[%dma_start3A_32, %dma_start3A_33] : memref<1664x32xf32, #tpu.memory_space<vmem>> -> memref<128x32xf32, #tpu.memory_space<vmem>>
      %dma_start3A_35 = arith.constant 0 : i32
      %dma_start3A_36 = tpu.memref_slice %arg5[%add3A_11, %dma_start3A_31, %dma_start3A_35] : memref<8x13x128xi32, #tpu.memory_space<vmem>> -> memref<1x1x128xi32, #tpu.memory_space<vmem>>
      %dma_start3A_37 = tpu.memref_squeeze %dma_start3A_36 : memref<1x1x128xi32, #tpu.memory_space<vmem>> -> memref<128xi32, #tpu.memory_space<vmem>>
      %dma_start3A_38 = arith.constant 0 : i32
      %dma_start3A_39 = arith.constant 0 : i32
      %dma_start3A_40 = tpu.memref_slice %arg2[%dma_start3A_38, %dma_start3A_39] : memref<2600000x32xf32, #tpu.memory_space<hbm>> -> memref<2600000x32xf32, #tpu.memory_space<hbm>>
      tpu.enqueue_indirect_dma source(%dma_start3A_40 : memref<2600000x32xf32, #tpu.memory_space<hbm>>) target(%dma_start3A_34 : memref<128x32xf32, #tpu.memory_space<vmem>>) offsets(%dma_start3A_37 : memref<128xi32, #tpu.memory_space<vmem>>) semaphore(%arg8 : memref<!tpu.dma_semaphore, #tpu.memory_space<semaphore_mem>>)
      %dma_start3A_41 = arith.constant 3 : i32
      %dma_start3A_42 = arith.constant 384 : i32
      %dma_start3A_43 = arith.constant 0 : i32
      %dma_start3A_44 = tpu.memref_slice %arg6[%dma_start3A_42, %dma_start3A_43] : memref<1664x32xf32, #tpu.memory_space<vmem>> -> memref<128x32xf32, #tpu.memory_space<vmem>>
      %dma_start3A_45 = arith.constant 0 : i32
      %dma_start3A_46 = tpu.memref_slice %arg5[%add3A_11, %dma_start3A_41, %dma_start3A_45] : memref<8x13x128xi32, #tpu.memory_space<vmem>> -> memref<1x1x128xi32, #tpu.memory_space<vmem>>
      %dma_start3A_47 = tpu.memref_squeeze %dma_start3A_46 : memref<1x1x128xi32, #tpu.memory_space<vmem>> -> memref<128xi32, #tpu.memory_space<vmem>>
      %dma_start3A_48 = arith.constant 0 : i32
      %dma_start3A_49 = arith.constant 0 : i32
      %dma_start3A_50 = tpu.memref_slice %arg2[%dma_start3A_48, %dma_start3A_49] : memref<2600000x32xf32, #tpu.memory_space<hbm>> -> memref<2600000x32xf32, #tpu.memory_space<hbm>>
      tpu.enqueue_indirect_dma source(%dma_start3A_50 : memref<2600000x32xf32, #tpu.memory_space<hbm>>) target(%dma_start3A_44 : memref<128x32xf32, #tpu.memory_space<vmem>>) offsets(%dma_start3A_47 : memref<128xi32, #tpu.memory_space<vmem>>) semaphore(%arg8 : memref<!tpu.dma_semaphore, #tpu.memory_space<semaphore_mem>>)
      %dma_start3A_51 = arith.constant 4 : i32
      %dma_start3A_52 = arith.constant 512 : i32
      %dma_start3A_53 = arith.constant 0 : i32
      %dma_start3A_54 = tpu.memref_slice %arg6[%dma_start3A_52, %dma_start3A_53] : memref<1664x32xf32, #tpu.memory_space<vmem>> -> memref<128x32xf32, #tpu.memory_space<vmem>>
      %dma_start3A_55 = arith.constant 0 : i32
      %dma_start3A_56 = tpu.memref_slice %arg5[%add3A_11, %dma_start3A_51, %dma_start3A_55] : memref<8x13x128xi32, #tpu.memory_space<vmem>> -> memref<1x1x128xi32, #tpu.memory_space<vmem>>
      %dma_start3A_57 = tpu.memref_squeeze %dma_start3A_56 : memref<1x1x128xi32, #tpu.memory_space<vmem>> -> memref<128xi32, #tpu.memory_space<vmem>>
      %dma_start3A_58 = arith.constant 0 : i32
      %dma_start3A_59 = arith.constant 0 : i32
      %dma_start3A_60 = tpu.memref_slice %arg2[%dma_start3A_58, %dma_start3A_59] : memref<2600000x32xf32, #tpu.memory_space<hbm>> -> memref<2600000x32xf32, #tpu.memory_space<hbm>>
      tpu.enqueue_indirect_dma source(%dma_start3A_60 : memref<2600000x32xf32, #tpu.memory_space<hbm>>) target(%dma_start3A_54 : memref<128x32xf32, #tpu.memory_space<vmem>>) offsets(%dma_start3A_57 : memref<128xi32, #tpu.memory_space<vmem>>) semaphore(%arg8 : memref<!tpu.dma_semaphore, #tpu.memory_space<semaphore_mem>>)
      %dma_start3A_61 = arith.constant 5 : i32
      %dma_start3A_62 = arith.constant 640 : i32
      %dma_start3A_63 = arith.constant 0 : i32
      %dma_start3A_64 = tpu.memref_slice %arg6[%dma_start3A_62, %dma_start3A_63] : memref<1664x32xf32, #tpu.memory_space<vmem>> -> memref<128x32xf32, #tpu.memory_space<vmem>>
      %dma_start3A_65 = arith.constant 0 : i32
      %dma_start3A_66 = tpu.memref_slice %arg5[%add3A_11, %dma_start3A_61, %dma_start3A_65] : memref<8x13x128xi32, #tpu.memory_space<vmem>> -> memref<1x1x128xi32, #tpu.memory_space<vmem>>
      %dma_start3A_67 = tpu.memref_squeeze %dma_start3A_66 : memref<1x1x128xi32, #tpu.memory_space<vmem>> -> memref<128xi32, #tpu.memory_space<vmem>>
      %dma_start3A_68 = arith.constant 0 : i32
      %dma_start3A_69 = arith.constant 0 : i32
      %dma_start3A_70 = tpu.memref_slice %arg2[%dma_start3A_68, %dma_start3A_69] : memref<2600000x32xf32, #tpu.memory_space<hbm>> -> memref<2600000x32xf32, #tpu.memory_space<hbm>>
      tpu.enqueue_indirect_dma source(%dma_start3A_70 : memref<2600000x32xf32, #tpu.memory_space<hbm>>) target(%dma_start3A_64 : memref<128x32xf32, #tpu.memory_space<vmem>>) offsets(%dma_start3A_67 : memref<128xi32, #tpu.memory_space<vmem>>) semaphore(%arg8 : memref<!tpu.dma_semaphore, #tpu.memory_space<semaphore_mem>>)
      %dma_start3A_71 = arith.constant 6 : i32
      %dma_start3A_72 = arith.constant 768 : i32
      %dma_start3A_73 = arith.constant 0 : i32
      %dma_start3A_74 = tpu.memref_slice %arg6[%dma_start3A_72, %dma_start3A_73] : memref<1664x32xf32, #tpu.memory_space<vmem>> -> memref<128x32xf32, #tpu.memory_space<vmem>>
      %dma_start3A_75 = arith.constant 0 : i32
      %dma_start3A_76 = tpu.memref_slice %arg5[%add3A_11, %dma_start3A_71, %dma_start3A_75] : memref<8x13x128xi32, #tpu.memory_space<vmem>> -> memref<1x1x128xi32, #tpu.memory_space<vmem>>
      %dma_start3A_77 = tpu.memref_squeeze %dma_start3A_76 : memref<1x1x128xi32, #tpu.memory_space<vmem>> -> memref<128xi32, #tpu.memory_space<vmem>>
      %dma_start3A_78 = arith.constant 0 : i32
      %dma_start3A_79 = arith.constant 0 : i32
      %dma_start3A_80 = tpu.memref_slice %arg2[%dma_start3A_78, %dma_start3A_79] : memref<2600000x32xf32, #tpu.memory_space<hbm>> -> memref<2600000x32xf32, #tpu.memory_space<hbm>>
      tpu.enqueue_indirect_dma source(%dma_start3A_80 : memref<2600000x32xf32, #tpu.memory_space<hbm>>) target(%dma_start3A_74 : memref<128x32xf32, #tpu.memory_space<vmem>>) offsets(%dma_start3A_77 : memref<128xi32, #tpu.memory_space<vmem>>) semaphore(%arg8 : memref<!tpu.dma_semaphore, #tpu.memory_space<semaphore_mem>>)
      %dma_start3A_81 = arith.constant 7 : i32
      %dma_start3A_82 = arith.constant 896 : i32
      %dma_start3A_83 = arith.constant 0 : i32
      %dma_start3A_84 = tpu.memref_slice %arg6[%dma_start3A_82, %dma_start3A_83] : memref<1664x32xf32, #tpu.memory_space<vmem>> -> memref<128x32xf32, #tpu.memory_space<vmem>>
      %dma_start3A_85 = arith.constant 0 : i32
      %dma_start3A_86 = tpu.memref_slice %arg5[%add3A_11, %dma_start3A_81, %dma_start3A_85] : memref<8x13x128xi32, #tpu.memory_space<vmem>> -> memref<1x1x128xi32, #tpu.memory_space<vmem>>
      %dma_start3A_87 = tpu.memref_squeeze %dma_start3A_86 : memref<1x1x128xi32, #tpu.memory_space<vmem>> -> memref<128xi32, #tpu.memory_space<vmem>>
      %dma_start3A_88 = arith.constant 0 : i32
      %dma_start3A_89 = arith.constant 0 : i32
      %dma_start3A_90 = tpu.memref_slice %arg2[%dma_start3A_88, %dma_start3A_89] : memref<2600000x32xf32, #tpu.memory_space<hbm>> -> memref<2600000x32xf32, #tpu.memory_space<hbm>>
      tpu.enqueue_indirect_dma source(%dma_start3A_90 : memref<2600000x32xf32, #tpu.memory_space<hbm>>) target(%dma_start3A_84 : memref<128x32xf32, #tpu.memory_space<vmem>>) offsets(%dma_start3A_87 : memref<128xi32, #tpu.memory_space<vmem>>) semaphore(%arg8 : memref<!tpu.dma_semaphore, #tpu.memory_space<semaphore_mem>>)
      %dma_start3A_91 = arith.constant 8 : i32
      %dma_start3A_92 = arith.constant 1024 : i32
      %dma_start3A_93 = arith.constant 0 : i32
      %dma_start3A_94 = tpu.memref_slice %arg6[%dma_start3A_92, %dma_start3A_93] : memref<1664x32xf32, #tpu.memory_space<vmem>> -> memref<128x32xf32, #tpu.memory_space<vmem>>
      %dma_start3A_95 = arith.constant 0 : i32
      %dma_start3A_96 = tpu.memref_slice %arg5[%add3A_11, %dma_start3A_91, %dma_start3A_95] : memref<8x13x128xi32, #tpu.memory_space<vmem>> -> memref<1x1x128xi32, #tpu.memory_space<vmem>>
      %dma_start3A_97 = tpu.memref_squeeze %dma_start3A_96 : memref<1x1x128xi32, #tpu.memory_space<vmem>> -> memref<128xi32, #tpu.memory_space<vmem>>
      %dma_start3A_98 = arith.constant 0 : i32
      %dma_start3A_99 = arith.constant 0 : i32
      %dma_start3A_100 = tpu.memref_slice %arg2[%dma_start3A_98, %dma_start3A_99] : memref<2600000x32xf32, #tpu.memory_space<hbm>> -> memref<2600000x32xf32, #tpu.memory_space<hbm>>
      tpu.enqueue_indirect_dma source(%dma_start3A_100 : memref<2600000x32xf32, #tpu.memory_space<hbm>>) target(%dma_start3A_94 : memref<128x32xf32, #tpu.memory_space<vmem>>) offsets(%dma_start3A_97 : memref<128xi32, #tpu.memory_space<vmem>>) semaphore(%arg8 : memref<!tpu.dma_semaphore, #tpu.memory_space<semaphore_mem>>)
      %dma_start3A_101 = arith.constant 9 : i32
      %dma_start3A_102 = arith.constant 1152 : i32
      %dma_start3A_103 = arith.constant 0 : i32
      %dma_start3A_104 = tpu.memref_slice %arg6[%dma_start3A_102, %dma_start3A_103] : memref<1664x32xf32, #tpu.memory_space<vmem>> -> memref<128x32xf32, #tpu.memory_space<vmem>>
      %dma_start3A_105 = arith.constant 0 : i32
      %dma_start3A_106 = tpu.memref_slice %arg5[%add3A_11, %dma_start3A_101, %dma_start3A_105] : memref<8x13x128xi32, #tpu.memory_space<vmem>> -> memref<1x1x128xi32, #tpu.memory_space<vmem>>
      %dma_start3A_107 = tpu.memref_squeeze %dma_start3A_106 : memref<1x1x128xi32, #tpu.memory_space<vmem>> -> memref<128xi32, #tpu.memory_space<vmem>>
      %dma_start3A_108 = arith.constant 0 : i32
      %dma_start3A_109 = arith.constant 0 : i32
      %dma_start3A_110 = tpu.memref_slice %arg2[%dma_start3A_108, %dma_start3A_109] : memref<2600000x32xf32, #tpu.memory_space<hbm>> -> memref<2600000x32xf32, #tpu.memory_space<hbm>>
      tpu.enqueue_indirect_dma source(%dma_start3A_110 : memref<2600000x32xf32, #tpu.memory_space<hbm>>) target(%dma_start3A_104 : memref<128x32xf32, #tpu.memory_space<vmem>>) offsets(%dma_start3A_107 : memref<128xi32, #tpu.memory_space<vmem>>) semaphore(%arg8 : memref<!tpu.dma_semaphore, #tpu.memory_space<semaphore_mem>>)
      %dma_start3A_111 = arith.constant 10 : i32
      %dma_start3A_112 = arith.constant 1280 : i32
      %dma_start3A_113 = arith.constant 0 : i32
      %dma_start3A_114 = tpu.memref_slice %arg6[%dma_start3A_112, %dma_start3A_113] : memref<1664x32xf32, #tpu.memory_space<vmem>> -> memref<128x32xf32, #tpu.memory_space<vmem>>
      %dma_start3A_115 = arith.constant 0 : i32
      %dma_start3A_116 = tpu.memref_slice %arg5[%add3A_11, %dma_start3A_111, %dma_start3A_115] : memref<8x13x128xi32, #tpu.memory_space<vmem>> -> memref<1x1x128xi32, #tpu.memory_space<vmem>>
      %dma_start3A_117 = tpu.memref_squeeze %dma_start3A_116 : memref<1x1x128xi32, #tpu.memory_space<vmem>> -> memref<128xi32, #tpu.memory_space<vmem>>
      %dma_start3A_118 = arith.constant 0 : i32
      %dma_start3A_119 = arith.constant 0 : i32
      %dma_start3A_120 = tpu.memref_slice %arg2[%dma_start3A_118, %dma_start3A_119] : memref<2600000x32xf32, #tpu.memory_space<hbm>> -> memref<2600000x32xf32, #tpu.memory_space<hbm>>
      tpu.enqueue_indirect_dma source(%dma_start3A_120 : memref<2600000x32xf32, #tpu.memory_space<hbm>>) target(%dma_start3A_114 : memref<128x32xf32, #tpu.memory_space<vmem>>) offsets(%dma_start3A_117 : memref<128xi32, #tpu.memory_space<vmem>>) semaphore(%arg8 : memref<!tpu.dma_semaphore, #tpu.memory_space<semaphore_mem>>)
      %dma_start3A_121 = arith.constant 11 : i32
      %dma_start3A_122 = arith.constant 1408 : i32
      %dma_start3A_123 = arith.constant 0 : i32
      %dma_start3A_124 = tpu.memref_slice %arg6[%dma_start3A_122, %dma_start3A_123] : memref<1664x32xf32, #tpu.memory_space<vmem>> -> memref<128x32xf32, #tpu.memory_space<vmem>>
      %dma_start3A_125 = arith.constant 0 : i32
      %dma_start3A_126 = tpu.memref_slice %arg5[%add3A_11, %dma_start3A_121, %dma_start3A_125] : memref<8x13x128xi32, #tpu.memory_space<vmem>> -> memref<1x1x128xi32, #tpu.memory_space<vmem>>
      %dma_start3A_127 = tpu.memref_squeeze %dma_start3A_126 : memref<1x1x128xi32, #tpu.memory_space<vmem>> -> memref<128xi32, #tpu.memory_space<vmem>>
      %dma_start3A_128 = arith.constant 0 : i32
      %dma_start3A_129 = arith.constant 0 : i32
      %dma_start3A_130 = tpu.memref_slice %arg2[%dma_start3A_128, %dma_start3A_129] : memref<2600000x32xf32, #tpu.memory_space<hbm>> -> memref<2600000x32xf32, #tpu.memory_space<hbm>>
      tpu.enqueue_indirect_dma source(%dma_start3A_130 : memref<2600000x32xf32, #tpu.memory_space<hbm>>) target(%dma_start3A_124 : memref<128x32xf32, #tpu.memory_space<vmem>>) offsets(%dma_start3A_127 : memref<128xi32, #tpu.memory_space<vmem>>) semaphore(%arg8 : memref<!tpu.dma_semaphore, #tpu.memory_space<semaphore_mem>>)
      %dma_start3A_131 = arith.constant 12 : i32
      %dma_start3A_132 = arith.constant 1536 : i32
      %dma_start3A_133 = arith.constant 0 : i32
      %dma_start3A_134 = tpu.memref_slice %arg6[%dma_start3A_132, %dma_start3A_133] : memref<1664x32xf32, #tpu.memory_space<vmem>> -> memref<128x32xf32, #tpu.memory_space<vmem>>
      %dma_start3A_135 = arith.constant 0 : i32
      %dma_start3A_136 = tpu.memref_slice %arg5[%add3A_11, %dma_start3A_131, %dma_start3A_135] : memref<8x13x128xi32, #tpu.memory_space<vmem>> -> memref<1x1x128xi32, #tpu.memory_space<vmem>>
      %dma_start3A_137 = tpu.memref_squeeze %dma_start3A_136 : memref<1x1x128xi32, #tpu.memory_space<vmem>> -> memref<128xi32, #tpu.memory_space<vmem>>
      %dma_start3A_138 = arith.constant 0 : i32
      %dma_start3A_139 = arith.constant 0 : i32
      %dma_start3A_140 = tpu.memref_slice %arg2[%dma_start3A_138, %dma_start3A_139] : memref<2600000x32xf32, #tpu.memory_space<hbm>> -> memref<2600000x32xf32, #tpu.memory_space<hbm>>
      tpu.enqueue_indirect_dma source(%dma_start3A_140 : memref<2600000x32xf32, #tpu.memory_space<hbm>>) target(%dma_start3A_134 : memref<128x32xf32, #tpu.memory_space<vmem>>) offsets(%dma_start3A_137 : memref<128xi32, #tpu.memory_space<vmem>>) semaphore(%arg8 : memref<!tpu.dma_semaphore, #tpu.memory_space<semaphore_mem>>)
      %add3A_141 = arith.constant 1 : i32
      %add3A_142 = arith.addi %add3A_11, %add3A_141 : i32
      %dma_start3A_143 = arith.constant 0 : i32
      %dma_start3A_144 = arith.constant 0 : i32
      %dma_start3A_145 = arith.constant 0 : i32
      %dma_start3A_146 = tpu.memref_slice %arg7[%dma_start3A_144, %dma_start3A_145] : memref<1664x32xf32, #tpu.memory_space<vmem>> -> memref<128x32xf32, #tpu.memory_space<vmem>>
      %dma_start3A_147 = arith.constant 0 : i32
      %dma_start3A_148 = tpu.memref_slice %arg5[%add3A_142, %dma_start3A_143, %dma_start3A_147] : memref<8x13x128xi32, #tpu.memory_space<vmem>> -> memref<1x1x128xi32, #tpu.memory_space<vmem>>
      %dma_start3A_149 = tpu.memref_squeeze %dma_start3A_148 : memref<1x1x128xi32, #tpu.memory_space<vmem>> -> memref<128xi32, #tpu.memory_space<vmem>>
      %dma_start3A_150 = arith.constant 0 : i32
      %dma_start3A_151 = arith.constant 0 : i32
      %dma_start3A_152 = tpu.memref_slice %arg2[%dma_start3A_150, %dma_start3A_151] : memref<2600000x32xf32, #tpu.memory_space<hbm>> -> memref<2600000x32xf32, #tpu.memory_space<hbm>>
      tpu.enqueue_indirect_dma source(%dma_start3A_152 : memref<2600000x32xf32, #tpu.memory_space<hbm>>) target(%dma_start3A_146 : memref<128x32xf32, #tpu.memory_space<vmem>>) offsets(%dma_start3A_149 : memref<128xi32, #tpu.memory_space<vmem>>) semaphore(%arg9 : memref<!tpu.dma_semaphore, #tpu.memory_space<semaphore_mem>>)
      %dma_start3A_153 = arith.constant 1 : i32
      %dma_start3A_154 = arith.constant 128 : i32
      %dma_start3A_155 = arith.constant 0 : i32
      %dma_start3A_156 = tpu.memref_slice %arg7[%dma_start3A_154, %dma_start3A_155] : memref<1664x32xf32, #tpu.memory_space<vmem>> -> memref<128x32xf32, #tpu.memory_space<vmem>>
      %dma_start3A_157 = arith.constant 0 : i32
      %dma_start3A_158 = tpu.memref_slice %arg5[%add3A_142, %dma_start3A_153, %dma_start3A_157] : memref<8x13x128xi32, #tpu.memory_space<vmem>> -> memref<1x1x128xi32, #tpu.memory_space<vmem>>
      %dma_start3A_159 = tpu.memref_squeeze %dma_start3A_158 : memref<1x1x128xi32, #tpu.memory_space<vmem>> -> memref<128xi32, #tpu.memory_space<vmem>>
      %dma_start3A_160 = arith.constant 0 : i32
      %dma_start3A_161 = arith.constant 0 : i32
      %dma_start3A_162 = tpu.memref_slice %arg2[%dma_start3A_160, %dma_start3A_161] : memref<2600000x32xf32, #tpu.memory_space<hbm>> -> memref<2600000x32xf32, #tpu.memory_space<hbm>>
      tpu.enqueue_indirect_dma source(%dma_start3A_162 : memref<2600000x32xf32, #tpu.memory_space<hbm>>) target(%dma_start3A_156 : memref<128x32xf32, #tpu.memory_space<vmem>>) offsets(%dma_start3A_159 : memref<128xi32, #tpu.memory_space<vmem>>) semaphore(%arg9 : memref<!tpu.dma_semaphore, #tpu.memory_space<semaphore_mem>>)
      %dma_start3A_163 = arith.constant 2 : i32
      %dma_start3A_164 = arith.constant 256 : i32
      %dma_start3A_165 = arith.constant 0 : i32
      %dma_start3A_166 = tpu.memref_slice %arg7[%dma_start3A_164, %dma_start3A_165] : memref<1664x32xf32, #tpu.memory_space<vmem>> -> memref<128x32xf32, #tpu.memory_space<vmem>>
      %dma_start3A_167 = arith.constant 0 : i32
      %dma_start3A_168 = tpu.memref_slice %arg5[%add3A_142, %dma_start3A_163, %dma_start3A_167] : memref<8x13x128xi32, #tpu.memory_space<vmem>> -> memref<1x1x128xi32, #tpu.memory_space<vmem>>
      %dma_start3A_169 = tpu.memref_squeeze %dma_start3A_168 : memref<1x1x128xi32, #tpu.memory_space<vmem>> -> memref<128xi32, #tpu.memory_space<vmem>>
      %dma_start3A_170 = arith.constant 0 : i32
      %dma_start3A_171 = arith.constant 0 : i32
      %dma_start3A_172 = tpu.memref_slice %arg2[%dma_start3A_170, %dma_start3A_171] : memref<2600000x32xf32, #tpu.memory_space<hbm>> -> memref<2600000x32xf32, #tpu.memory_space<hbm>>
      tpu.enqueue_indirect_dma source(%dma_start3A_172 : memref<2600000x32xf32, #tpu.memory_space<hbm>>) target(%dma_start3A_166 : memref<128x32xf32, #tpu.memory_space<vmem>>) offsets(%dma_start3A_169 : memref<128xi32, #tpu.memory_space<vmem>>) semaphore(%arg9 : memref<!tpu.dma_semaphore, #tpu.memory_space<semaphore_mem>>)
      %dma_start3A_173 = arith.constant 3 : i32
      %dma_start3A_174 = arith.constant 384 : i32
      %dma_start3A_175 = arith.constant 0 : i32
      %dma_start3A_176 = tpu.memref_slice %arg7[%dma_start3A_174, %dma_start3A_175] : memref<1664x32xf32, #tpu.memory_space<vmem>> -> memref<128x32xf32, #tpu.memory_space<vmem>>
      %dma_start3A_177 = arith.constant 0 : i32
      %dma_start3A_178 = tpu.memref_slice %arg5[%add3A_142, %dma_start3A_173, %dma_start3A_177] : memref<8x13x128xi32, #tpu.memory_space<vmem>> -> memref<1x1x128xi32, #tpu.memory_space<vmem>>
      %dma_start3A_179 = tpu.memref_squeeze %dma_start3A_178 : memref<1x1x128xi32, #tpu.memory_space<vmem>> -> memref<128xi32, #tpu.memory_space<vmem>>
      %dma_start3A_180 = arith.constant 0 : i32
      %dma_start3A_181 = arith.constant 0 : i32
      %dma_start3A_182 = tpu.memref_slice %arg2[%dma_start3A_180, %dma_start3A_181] : memref<2600000x32xf32, #tpu.memory_space<hbm>> -> memref<2600000x32xf32, #tpu.memory_space<hbm>>
      tpu.enqueue_indirect_dma source(%dma_start3A_182 : memref<2600000x32xf32, #tpu.memory_space<hbm>>) target(%dma_start3A_176 : memref<128x32xf32, #tpu.memory_space<vmem>>) offsets(%dma_start3A_179 : memref<128xi32, #tpu.memory_space<vmem>>) semaphore(%arg9 : memref<!tpu.dma_semaphore, #tpu.memory_space<semaphore_mem>>)
      %dma_start3A_183 = arith.constant 4 : i32
      %dma_start3A_184 = arith.constant 512 : i32
      %dma_start3A_185 = arith.constant 0 : i32
      %dma_start3A_186 = tpu.memref_slice %arg7[%dma_start3A_184, %dma_start3A_185] : memref<1664x32xf32, #tpu.memory_space<vmem>> -> memref<128x32xf32, #tpu.memory_space<vmem>>
      %dma_start3A_187 = arith.constant 0 : i32
      %dma_start3A_188 = tpu.memref_slice %arg5[%add3A_142, %dma_start3A_183, %dma_start3A_187] : memref<8x13x128xi32, #tpu.memory_space<vmem>> -> memref<1x1x128xi32, #tpu.memory_space<vmem>>
      %dma_start3A_189 = tpu.memref_squeeze %dma_start3A_188 : memref<1x1x128xi32, #tpu.memory_space<vmem>> -> memref<128xi32, #tpu.memory_space<vmem>>
      %dma_start3A_190 = arith.constant 0 : i32
      %dma_start3A_191 = arith.constant 0 : i32
      %dma_start3A_192 = tpu.memref_slice %arg2[%dma_start3A_190, %dma_start3A_191] : memref<2600000x32xf32, #tpu.memory_space<hbm>> -> memref<2600000x32xf32, #tpu.memory_space<hbm>>
      tpu.enqueue_indirect_dma source(%dma_start3A_192 : memref<2600000x32xf32, #tpu.memory_space<hbm>>) target(%dma_start3A_186 : memref<128x32xf32, #tpu.memory_space<vmem>>) offsets(%dma_start3A_189 : memref<128xi32, #tpu.memory_space<vmem>>) semaphore(%arg9 : memref<!tpu.dma_semaphore, #tpu.memory_space<semaphore_mem>>)
      %dma_start3A_193 = arith.constant 5 : i32
      %dma_start3A_194 = arith.constant 640 : i32
      %dma_start3A_195 = arith.constant 0 : i32
      %dma_start3A_196 = tpu.memref_slice %arg7[%dma_start3A_194, %dma_start3A_195] : memref<1664x32xf32, #tpu.memory_space<vmem>> -> memref<128x32xf32, #tpu.memory_space<vmem>>
      %dma_start3A_197 = arith.constant 0 : i32
      %dma_start3A_198 = tpu.memref_slice %arg5[%add3A_142, %dma_start3A_193, %dma_start3A_197] : memref<8x13x128xi32, #tpu.memory_space<vmem>> -> memref<1x1x128xi32, #tpu.memory_space<vmem>>
      %dma_start3A_199 = tpu.memref_squeeze %dma_start3A_198 : memref<1x1x128xi32, #tpu.memory_space<vmem>> -> memref<128xi32, #tpu.memory_space<vmem>>
      %dma_start3A_200 = arith.constant 0 : i32
      %dma_start3A_201 = arith.constant 0 : i32
      %dma_start3A_202 = tpu.memref_slice %arg2[%dma_start3A_200, %dma_start3A_201] : memref<2600000x32xf32, #tpu.memory_space<hbm>> -> memref<2600000x32xf32, #tpu.memory_space<hbm>>
      tpu.enqueue_indirect_dma source(%dma_start3A_202 : memref<2600000x32xf32, #tpu.memory_space<hbm>>) target(%dma_start3A_196 : memref<128x32xf32, #tpu.memory_space<vmem>>) offsets(%dma_start3A_199 : memref<128xi32, #tpu.memory_space<vmem>>) semaphore(%arg9 : memref<!tpu.dma_semaphore, #tpu.memory_space<semaphore_mem>>)
      %dma_start3A_203 = arith.constant 6 : i32
      %dma_start3A_204 = arith.constant 768 : i32
      %dma_start3A_205 = arith.constant 0 : i32
      %dma_start3A_206 = tpu.memref_slice %arg7[%dma_start3A_204, %dma_start3A_205] : memref<1664x32xf32, #tpu.memory_space<vmem>> -> memref<128x32xf32, #tpu.memory_space<vmem>>
      %dma_start3A_207 = arith.constant 0 : i32
      %dma_start3A_208 = tpu.memref_slice %arg5[%add3A_142, %dma_start3A_203, %dma_start3A_207] : memref<8x13x128xi32, #tpu.memory_space<vmem>> -> memref<1x1x128xi32, #tpu.memory_space<vmem>>
      %dma_start3A_209 = tpu.memref_squeeze %dma_start3A_208 : memref<1x1x128xi32, #tpu.memory_space<vmem>> -> memref<128xi32, #tpu.memory_space<vmem>>
      %dma_start3A_210 = arith.constant 0 : i32
      %dma_start3A_211 = arith.constant 0 : i32
      %dma_start3A_212 = tpu.memref_slice %arg2[%dma_start3A_210, %dma_start3A_211] : memref<2600000x32xf32, #tpu.memory_space<hbm>> -> memref<2600000x32xf32, #tpu.memory_space<hbm>>
      tpu.enqueue_indirect_dma source(%dma_start3A_212 : memref<2600000x32xf32, #tpu.memory_space<hbm>>) target(%dma_start3A_206 : memref<128x32xf32, #tpu.memory_space<vmem>>) offsets(%dma_start3A_209 : memref<128xi32, #tpu.memory_space<vmem>>) semaphore(%arg9 : memref<!tpu.dma_semaphore, #tpu.memory_space<semaphore_mem>>)
      %dma_start3A_213 = arith.constant 7 : i32
      %dma_start3A_214 = arith.constant 896 : i32
      %dma_start3A_215 = arith.constant 0 : i32
      %dma_start3A_216 = tpu.memref_slice %arg7[%dma_start3A_214, %dma_start3A_215] : memref<1664x32xf32, #tpu.memory_space<vmem>> -> memref<128x32xf32, #tpu.memory_space<vmem>>
      %dma_start3A_217 = arith.constant 0 : i32
      %dma_start3A_218 = tpu.memref_slice %arg5[%add3A_142, %dma_start3A_213, %dma_start3A_217] : memref<8x13x128xi32, #tpu.memory_space<vmem>> -> memref<1x1x128xi32, #tpu.memory_space<vmem>>
      %dma_start3A_219 = tpu.memref_squeeze %dma_start3A_218 : memref<1x1x128xi32, #tpu.memory_space<vmem>> -> memref<128xi32, #tpu.memory_space<vmem>>
      %dma_start3A_220 = arith.constant 0 : i32
      %dma_start3A_221 = arith.constant 0 : i32
      %dma_start3A_222 = tpu.memref_slice %arg2[%dma_start3A_220, %dma_start3A_221] : memref<2600000x32xf32, #tpu.memory_space<hbm>> -> memref<2600000x32xf32, #tpu.memory_space<hbm>>
      tpu.enqueue_indirect_dma source(%dma_start3A_222 : memref<2600000x32xf32, #tpu.memory_space<hbm>>) target(%dma_start3A_216 : memref<128x32xf32, #tpu.memory_space<vmem>>) offsets(%dma_start3A_219 : memref<128xi32, #tpu.memory_space<vmem>>) semaphore(%arg9 : memref<!tpu.dma_semaphore, #tpu.memory_space<semaphore_mem>>)
      %dma_start3A_223 = arith.constant 8 : i32
      %dma_start3A_224 = arith.constant 1024 : i32
      %dma_start3A_225 = arith.constant 0 : i32
      %dma_start3A_226 = tpu.memref_slice %arg7[%dma_start3A_224, %dma_start3A_225] : memref<1664x32xf32, #tpu.memory_space<vmem>> -> memref<128x32xf32, #tpu.memory_space<vmem>>
      %dma_start3A_227 = arith.constant 0 : i32
      %dma_start3A_228 = tpu.memref_slice %arg5[%add3A_142, %dma_start3A_223, %dma_start3A_227] : memref<8x13x128xi32, #tpu.memory_space<vmem>> -> memref<1x1x128xi32, #tpu.memory_space<vmem>>
      %dma_start3A_229 = tpu.memref_squeeze %dma_start3A_228 : memref<1x1x128xi32, #tpu.memory_space<vmem>> -> memref<128xi32, #tpu.memory_space<vmem>>
      %dma_start3A_230 = arith.constant 0 : i32
      %dma_start3A_231 = arith.constant 0 : i32
      %dma_start3A_232 = tpu.memref_slice %arg2[%dma_start3A_230, %dma_start3A_231] : memref<2600000x32xf32, #tpu.memory_space<hbm>> -> memref<2600000x32xf32, #tpu.memory_space<hbm>>
      tpu.enqueue_indirect_dma source(%dma_start3A_232 : memref<2600000x32xf32, #tpu.memory_space<hbm>>) target(%dma_start3A_226 : memref<128x32xf32, #tpu.memory_space<vmem>>) offsets(%dma_start3A_229 : memref<128xi32, #tpu.memory_space<vmem>>) semaphore(%arg9 : memref<!tpu.dma_semaphore, #tpu.memory_space<semaphore_mem>>)
      %dma_start3A_233 = arith.constant 9 : i32
      %dma_start3A_234 = arith.constant 1152 : i32
      %dma_start3A_235 = arith.constant 0 : i32
      %dma_start3A_236 = tpu.memref_slice %arg7[%dma_start3A_234, %dma_start3A_235] : memref<1664x32xf32, #tpu.memory_space<vmem>> -> memref<128x32xf32, #tpu.memory_space<vmem>>
      %dma_start3A_237 = arith.constant 0 : i32
      %dma_start3A_238 = tpu.memref_slice %arg5[%add3A_142, %dma_start3A_233, %dma_start3A_237] : memref<8x13x128xi32, #tpu.memory_space<vmem>> -> memref<1x1x128xi32, #tpu.memory_space<vmem>>
      %dma_start3A_239 = tpu.memref_squeeze %dma_start3A_238 : memref<1x1x128xi32, #tpu.memory_space<vmem>> -> memref<128xi32, #tpu.memory_space<vmem>>
      %dma_start3A_240 = arith.constant 0 : i32
      %dma_start3A_241 = arith.constant 0 : i32
      %dma_start3A_242 = tpu.memref_slice %arg2[%dma_start3A_240, %dma_start3A_241] : memref<2600000x32xf32, #tpu.memory_space<hbm>> -> memref<2600000x32xf32, #tpu.memory_space<hbm>>
      tpu.enqueue_indirect_dma source(%dma_start3A_242 : memref<2600000x32xf32, #tpu.memory_space<hbm>>) target(%dma_start3A_236 : memref<128x32xf32, #tpu.memory_space<vmem>>) offsets(%dma_start3A_239 : memref<128xi32, #tpu.memory_space<vmem>>) semaphore(%arg9 : memref<!tpu.dma_semaphore, #tpu.memory_space<semaphore_mem>>)
      %dma_start3A_243 = arith.constant 10 : i32
      %dma_start3A_244 = arith.constant 1280 : i32
      %dma_start3A_245 = arith.constant 0 : i32
      %dma_start3A_246 = tpu.memref_slice %arg7[%dma_start3A_244, %dma_start3A_245] : memref<1664x32xf32, #tpu.memory_space<vmem>> -> memref<128x32xf32, #tpu.memory_space<vmem>>
      %dma_start3A_247 = arith.constant 0 : i32
      %dma_start3A_248 = tpu.memref_slice %arg5[%add3A_142, %dma_start3A_243, %dma_start3A_247] : memref<8x13x128xi32, #tpu.memory_space<vmem>> -> memref<1x1x128xi32, #tpu.memory_space<vmem>>
      %dma_start3A_249 = tpu.memref_squeeze %dma_start3A_248 : memref<1x1x128xi32, #tpu.memory_space<vmem>> -> memref<128xi32, #tpu.memory_space<vmem>>
      %dma_start3A_250 = arith.constant 0 : i32
      %dma_start3A_251 = arith.constant 0 : i32
      %dma_start3A_252 = tpu.memref_slice %arg2[%dma_start3A_250, %dma_start3A_251] : memref<2600000x32xf32, #tpu.memory_space<hbm>> -> memref<2600000x32xf32, #tpu.memory_space<hbm>>
      tpu.enqueue_indirect_dma source(%dma_start3A_252 : memref<2600000x32xf32, #tpu.memory_space<hbm>>) target(%dma_start3A_246 : memref<128x32xf32, #tpu.memory_space<vmem>>) offsets(%dma_start3A_249 : memref<128xi32, #tpu.memory_space<vmem>>) semaphore(%arg9 : memref<!tpu.dma_semaphore, #tpu.memory_space<semaphore_mem>>)
      %dma_start3A_253 = arith.constant 11 : i32
      %dma_start3A_254 = arith.constant 1408 : i32
      %dma_start3A_255 = arith.constant 0 : i32
      %dma_start3A_256 = tpu.memref_slice %arg7[%dma_start3A_254, %dma_start3A_255] : memref<1664x32xf32, #tpu.memory_space<vmem>> -> memref<128x32xf32, #tpu.memory_space<vmem>>
      %dma_start3A_257 = arith.constant 0 : i32
      %dma_start3A_258 = tpu.memref_slice %arg5[%add3A_142, %dma_start3A_253, %dma_start3A_257] : memref<8x13x128xi32, #tpu.memory_space<vmem>> -> memref<1x1x128xi32, #tpu.memory_space<vmem>>
      %dma_start3A_259 = tpu.memref_squeeze %dma_start3A_258 : memref<1x1x128xi32, #tpu.memory_space<vmem>> -> memref<128xi32, #tpu.memory_space<vmem>>
      %dma_start3A_260 = arith.constant 0 : i32
      %dma_start3A_261 = arith.constant 0 : i32
      %dma_start3A_262 = tpu.memref_slice %arg2[%dma_start3A_260, %dma_start3A_261] : memref<2600000x32xf32, #tpu.memory_space<hbm>> -> memref<2600000x32xf32, #tpu.memory_space<hbm>>
      tpu.enqueue_indirect_dma source(%dma_start3A_262 : memref<2600000x32xf32, #tpu.memory_space<hbm>>) target(%dma_start3A_256 : memref<128x32xf32, #tpu.memory_space<vmem>>) offsets(%dma_start3A_259 : memref<128xi32, #tpu.memory_space<vmem>>) semaphore(%arg9 : memref<!tpu.dma_semaphore, #tpu.memory_space<semaphore_mem>>)
      %dma_start3A_263 = arith.constant 12 : i32
      %dma_start3A_264 = arith.constant 1536 : i32
      %dma_start3A_265 = arith.constant 0 : i32
      %dma_start3A_266 = tpu.memref_slice %arg7[%dma_start3A_264, %dma_start3A_265] : memref<1664x32xf32, #tpu.memory_space<vmem>> -> memref<128x32xf32, #tpu.memory_space<vmem>>
      %dma_start3A_267 = arith.constant 0 : i32
      %dma_start3A_268 = tpu.memref_slice %arg5[%add3A_142, %dma_start3A_263, %dma_start3A_267] : memref<8x13x128xi32, #tpu.memory_space<vmem>> -> memref<1x1x128xi32, #tpu.memory_space<vmem>>
      %dma_start3A_269 = tpu.memref_squeeze %dma_start3A_268 : memref<1x1x128xi32, #tpu.memory_space<vmem>> -> memref<128xi32, #tpu.memory_space<vmem>>
      %dma_start3A_270 = arith.constant 0 : i32
      %dma_start3A_271 = arith.constant 0 : i32
      %dma_start3A_272 = tpu.memref_slice %arg2[%dma_start3A_270, %dma_start3A_271] : memref<2600000x32xf32, #tpu.memory_space<hbm>> -> memref<2600000x32xf32, #tpu.memory_space<hbm>>
      tpu.enqueue_indirect_dma source(%dma_start3A_272 : memref<2600000x32xf32, #tpu.memory_space<hbm>>) target(%dma_start3A_266 : memref<128x32xf32, #tpu.memory_space<vmem>>) offsets(%dma_start3A_269 : memref<128xi32, #tpu.memory_space<vmem>>) semaphore(%arg9 : memref<!tpu.dma_semaphore, #tpu.memory_space<semaphore_mem>>)
      %dma_wait3A = arith.constant 0 : i32
      %dma_wait3A_273 = arith.constant 0 : i32
      %dma_wait3A_274 = arith.constant 0 : i32
      %dma_wait3A_275 = tpu.memref_slice %arg6[%dma_wait3A_273, %dma_wait3A_274] : memref<1664x32xf32, #tpu.memory_space<vmem>> -> memref<128x32xf32, #tpu.memory_space<vmem>>
      %dma_wait3A_276 = arith.constant 0 : i32
      %dma_wait3A_277 = tpu.memref_slice %arg5[%add3A_11, %dma_wait3A, %dma_wait3A_276] : memref<8x13x128xi32, #tpu.memory_space<vmem>> -> memref<1x1x128xi32, #tpu.memory_space<vmem>>
      %dma_wait3A_278 = tpu.memref_squeeze %dma_wait3A_277 : memref<1x1x128xi32, #tpu.memory_space<vmem>> -> memref<128xi32, #tpu.memory_space<vmem>>
      %dma_wait3A_279 = arith.constant 0 : i32
      %dma_wait3A_280 = arith.constant 0 : i32
      %dma_wait3A_281 = tpu.memref_slice %arg2[%dma_wait3A_279, %dma_wait3A_280] : memref<2600000x32xf32, #tpu.memory_space<hbm>> -> memref<2600000x32xf32, #tpu.memory_space<hbm>>
      tpu.wait_indirect_dma semaphore(%arg8 : memref<!tpu.dma_semaphore, #tpu.memory_space<semaphore_mem>>) src(%dma_wait3A_281 : memref<2600000x32xf32, #tpu.memory_space<hbm>>) dst(%dma_wait3A_275 : memref<128x32xf32, #tpu.memory_space<vmem>>)
      %dma_wait3A_282 = arith.constant 1 : i32
      %dma_wait3A_283 = arith.constant 128 : i32
      %dma_wait3A_284 = arith.constant 0 : i32
      %dma_wait3A_285 = tpu.memref_slice %arg6[%dma_wait3A_283, %dma_wait3A_284] : memref<1664x32xf32, #tpu.memory_space<vmem>> -> memref<128x32xf32, #tpu.memory_space<vmem>>
      %dma_wait3A_286 = arith.constant 0 : i32
      %dma_wait3A_287 = tpu.memref_slice %arg5[%add3A_11, %dma_wait3A_282, %dma_wait3A_286] : memref<8x13x128xi32, #tpu.memory_space<vmem>> -> memref<1x1x128xi32, #tpu.memory_space<vmem>>
      %dma_wait3A_288 = tpu.memref_squeeze %dma_wait3A_287 : memref<1x1x128xi32, #tpu.memory_space<vmem>> -> memref<128xi32, #tpu.memory_space<vmem>>
      %dma_wait3A_289 = arith.constant 0 : i32
      %dma_wait3A_290 = arith.constant 0 : i32
      %dma_wait3A_291 = tpu.memref_slice %arg2[%dma_wait3A_289, %dma_wait3A_290] : memref<2600000x32xf32, #tpu.memory_space<hbm>> -> memref<2600000x32xf32, #tpu.memory_space<hbm>>
      tpu.wait_indirect_dma semaphore(%arg8 : memref<!tpu.dma_semaphore, #tpu.memory_space<semaphore_mem>>) src(%dma_wait3A_291 : memref<2600000x32xf32, #tpu.memory_space<hbm>>) dst(%dma_wait3A_285 : memref<128x32xf32, #tpu.memory_space<vmem>>)
      %dma_wait3A_292 = arith.constant 2 : i32
      %dma_wait3A_293 = arith.constant 256 : i32
      %dma_wait3A_294 = arith.constant 0 : i32
      %dma_wait3A_295 = tpu.memref_slice %arg6[%dma_wait3A_293, %dma_wait3A_294] : memref<1664x32xf32, #tpu.memory_space<vmem>> -> memref<128x32xf32, #tpu.memory_space<vmem>>
      %dma_wait3A_296 = arith.constant 0 : i32
      %dma_wait3A_297 = tpu.memref_slice %arg5[%add3A_11, %dma_wait3A_292, %dma_wait3A_296] : memref<8x13x128xi32, #tpu.memory_space<vmem>> -> memref<1x1x128xi32, #tpu.memory_space<vmem>>
      %dma_wait3A_298 = tpu.memref_squeeze %dma_wait3A_297 : memref<1x1x128xi32, #tpu.memory_space<vmem>> -> memref<128xi32, #tpu.memory_space<vmem>>
      %dma_wait3A_299 = arith.constant 0 : i32
      %dma_wait3A_300 = arith.constant 0 : i32
      %dma_wait3A_301 = tpu.memref_slice %arg2[%dma_wait3A_299, %dma_wait3A_300] : memref<2600000x32xf32, #tpu.memory_space<hbm>> -> memref<2600000x32xf32, #tpu.memory_space<hbm>>
      tpu.wait_indirect_dma semaphore(%arg8 : memref<!tpu.dma_semaphore, #tpu.memory_space<semaphore_mem>>) src(%dma_wait3A_301 : memref<2600000x32xf32, #tpu.memory_space<hbm>>) dst(%dma_wait3A_295 : memref<128x32xf32, #tpu.memory_space<vmem>>)
      %dma_wait3A_302 = arith.constant 3 : i32
      %dma_wait3A_303 = arith.constant 384 : i32
      %dma_wait3A_304 = arith.constant 0 : i32
      %dma_wait3A_305 = tpu.memref_slice %arg6[%dma_wait3A_303, %dma_wait3A_304] : memref<1664x32xf32, #tpu.memory_space<vmem>> -> memref<128x32xf32, #tpu.memory_space<vmem>>
      %dma_wait3A_306 = arith.constant 0 : i32
      %dma_wait3A_307 = tpu.memref_slice %arg5[%add3A_11, %dma_wait3A_302, %dma_wait3A_306] : memref<8x13x128xi32, #tpu.memory_space<vmem>> -> memref<1x1x128xi32, #tpu.memory_space<vmem>>
      %dma_wait3A_308 = tpu.memref_squeeze %dma_wait3A_307 : memref<1x1x128xi32, #tpu.memory_space<vmem>> -> memref<128xi32, #tpu.memory_space<vmem>>
      %dma_wait3A_309 = arith.constant 0 : i32
      %dma_wait3A_310 = arith.constant 0 : i32
      %dma_wait3A_311 = tpu.memref_slice %arg2[%dma_wait3A_309, %dma_wait3A_310] : memref<2600000x32xf32, #tpu.memory_space<hbm>> -> memref<2600000x32xf32, #tpu.memory_space<hbm>>
      tpu.wait_indirect_dma semaphore(%arg8 : memref<!tpu.dma_semaphore, #tpu.memory_space<semaphore_mem>>) src(%dma_wait3A_311 : memref<2600000x32xf32, #tpu.memory_space<hbm>>) dst(%dma_wait3A_305 : memref<128x32xf32, #tpu.memory_space<vmem>>)
      %dma_wait3A_312 = arith.constant 4 : i32
      %dma_wait3A_313 = arith.constant 512 : i32
      %dma_wait3A_314 = arith.constant 0 : i32
      %dma_wait3A_315 = tpu.memref_slice %arg6[%dma_wait3A_313, %dma_wait3A_314] : memref<1664x32xf32, #tpu.memory_space<vmem>> -> memref<128x32xf32, #tpu.memory_space<vmem>>
      %dma_wait3A_316 = arith.constant 0 : i32
      %dma_wait3A_317 = tpu.memref_slice %arg5[%add3A_11, %dma_wait3A_312, %dma_wait3A_316] : memref<8x13x128xi32, #tpu.memory_space<vmem>> -> memref<1x1x128xi32, #tpu.memory_space<vmem>>
      %dma_wait3A_318 = tpu.memref_squeeze %dma_wait3A_317 : memref<1x1x128xi32, #tpu.memory_space<vmem>> -> memref<128xi32, #tpu.memory_space<vmem>>
      %dma_wait3A_319 = arith.constant 0 : i32
      %dma_wait3A_320 = arith.constant 0 : i32
      %dma_wait3A_321 = tpu.memref_slice %arg2[%dma_wait3A_319, %dma_wait3A_320] : memref<2600000x32xf32, #tpu.memory_space<hbm>> -> memref<2600000x32xf32, #tpu.memory_space<hbm>>
      tpu.wait_indirect_dma semaphore(%arg8 : memref<!tpu.dma_semaphore, #tpu.memory_space<semaphore_mem>>) src(%dma_wait3A_321 : memref<2600000x32xf32, #tpu.memory_space<hbm>>) dst(%dma_wait3A_315 : memref<128x32xf32, #tpu.memory_space<vmem>>)
      %dma_wait3A_322 = arith.constant 5 : i32
      %dma_wait3A_323 = arith.constant 640 : i32
      %dma_wait3A_324 = arith.constant 0 : i32
      %dma_wait3A_325 = tpu.memref_slice %arg6[%dma_wait3A_323, %dma_wait3A_324] : memref<1664x32xf32, #tpu.memory_space<vmem>> -> memref<128x32xf32, #tpu.memory_space<vmem>>
      %dma_wait3A_326 = arith.constant 0 : i32
      %dma_wait3A_327 = tpu.memref_slice %arg5[%add3A_11, %dma_wait3A_322, %dma_wait3A_326] : memref<8x13x128xi32, #tpu.memory_space<vmem>> -> memref<1x1x128xi32, #tpu.memory_space<vmem>>
      %dma_wait3A_328 = tpu.memref_squeeze %dma_wait3A_327 : memref<1x1x128xi32, #tpu.memory_space<vmem>> -> memref<128xi32, #tpu.memory_space<vmem>>
      %dma_wait3A_329 = arith.constant 0 : i32
      %dma_wait3A_330 = arith.constant 0 : i32
      %dma_wait3A_331 = tpu.memref_slice %arg2[%dma_wait3A_329, %dma_wait3A_330] : memref<2600000x32xf32, #tpu.memory_space<hbm>> -> memref<2600000x32xf32, #tpu.memory_space<hbm>>
      tpu.wait_indirect_dma semaphore(%arg8 : memref<!tpu.dma_semaphore, #tpu.memory_space<semaphore_mem>>) src(%dma_wait3A_331 : memref<2600000x32xf32, #tpu.memory_space<hbm>>) dst(%dma_wait3A_325 : memref<128x32xf32, #tpu.memory_space<vmem>>)
      %dma_wait3A_332 = arith.constant 6 : i32
      %dma_wait3A_333 = arith.constant 768 : i32
      %dma_wait3A_334 = arith.constant 0 : i32
      %dma_wait3A_335 = tpu.memref_slice %arg6[%dma_wait3A_333, %dma_wait3A_334] : memref<1664x32xf32, #tpu.memory_space<vmem>> -> memref<128x32xf32, #tpu.memory_space<vmem>>
      %dma_wait3A_336 = arith.constant 0 : i32
      %dma_wait3A_337 = tpu.memref_slice %arg5[%add3A_11, %dma_wait3A_332, %dma_wait3A_336] : memref<8x13x128xi32, #tpu.memory_space<vmem>> -> memref<1x1x128xi32, #tpu.memory_space<vmem>>
      %dma_wait3A_338 = tpu.memref_squeeze %dma_wait3A_337 : memref<1x1x128xi32, #tpu.memory_space<vmem>> -> memref<128xi32, #tpu.memory_space<vmem>>
      %dma_wait3A_339 = arith.constant 0 : i32
      %dma_wait3A_340 = arith.constant 0 : i32
      %dma_wait3A_341 = tpu.memref_slice %arg2[%dma_wait3A_339, %dma_wait3A_340] : memref<2600000x32xf32, #tpu.memory_space<hbm>> -> memref<2600000x32xf32, #tpu.memory_space<hbm>>
      tpu.wait_indirect_dma semaphore(%arg8 : memref<!tpu.dma_semaphore, #tpu.memory_space<semaphore_mem>>) src(%dma_wait3A_341 : memref<2600000x32xf32, #tpu.memory_space<hbm>>) dst(%dma_wait3A_335 : memref<128x32xf32, #tpu.memory_space<vmem>>)
      %dma_wait3A_342 = arith.constant 7 : i32
      %dma_wait3A_343 = arith.constant 896 : i32
      %dma_wait3A_344 = arith.constant 0 : i32
      %dma_wait3A_345 = tpu.memref_slice %arg6[%dma_wait3A_343, %dma_wait3A_344] : memref<1664x32xf32, #tpu.memory_space<vmem>> -> memref<128x32xf32, #tpu.memory_space<vmem>>
      %dma_wait3A_346 = arith.constant 0 : i32
      %dma_wait3A_347 = tpu.memref_slice %arg5[%add3A_11, %dma_wait3A_342, %dma_wait3A_346] : memref<8x13x128xi32, #tpu.memory_space<vmem>> -> memref<1x1x128xi32, #tpu.memory_space<vmem>>
      %dma_wait3A_348 = tpu.memref_squeeze %dma_wait3A_347 : memref<1x1x128xi32, #tpu.memory_space<vmem>> -> memref<128xi32, #tpu.memory_space<vmem>>
      %dma_wait3A_349 = arith.constant 0 : i32
      %dma_wait3A_350 = arith.constant 0 : i32
      %dma_wait3A_351 = tpu.memref_slice %arg2[%dma_wait3A_349, %dma_wait3A_350] : memref<2600000x32xf32, #tpu.memory_space<hbm>> -> memref<2600000x32xf32, #tpu.memory_space<hbm>>
      tpu.wait_indirect_dma semaphore(%arg8 : memref<!tpu.dma_semaphore, #tpu.memory_space<semaphore_mem>>) src(%dma_wait3A_351 : memref<2600000x32xf32, #tpu.memory_space<hbm>>) dst(%dma_wait3A_345 : memref<128x32xf32, #tpu.memory_space<vmem>>)
      %dma_wait3A_352 = arith.constant 8 : i32
      %dma_wait3A_353 = arith.constant 1024 : i32
      %dma_wait3A_354 = arith.constant 0 : i32
      %dma_wait3A_355 = tpu.memref_slice %arg6[%dma_wait3A_353, %dma_wait3A_354] : memref<1664x32xf32, #tpu.memory_space<vmem>> -> memref<128x32xf32, #tpu.memory_space<vmem>>
      %dma_wait3A_356 = arith.constant 0 : i32
      %dma_wait3A_357 = tpu.memref_slice %arg5[%add3A_11, %dma_wait3A_352, %dma_wait3A_356] : memref<8x13x128xi32, #tpu.memory_space<vmem>> -> memref<1x1x128xi32, #tpu.memory_space<vmem>>
      %dma_wait3A_358 = tpu.memref_squeeze %dma_wait3A_357 : memref<1x1x128xi32, #tpu.memory_space<vmem>> -> memref<128xi32, #tpu.memory_space<vmem>>
      %dma_wait3A_359 = arith.constant 0 : i32
      %dma_wait3A_360 = arith.constant 0 : i32
      %dma_wait3A_361 = tpu.memref_slice %arg2[%dma_wait3A_359, %dma_wait3A_360] : memref<2600000x32xf32, #tpu.memory_space<hbm>> -> memref<2600000x32xf32, #tpu.memory_space<hbm>>
      tpu.wait_indirect_dma semaphore(%arg8 : memref<!tpu.dma_semaphore, #tpu.memory_space<semaphore_mem>>) src(%dma_wait3A_361 : memref<2600000x32xf32, #tpu.memory_space<hbm>>) dst(%dma_wait3A_355 : memref<128x32xf32, #tpu.memory_space<vmem>>)
      %dma_wait3A_362 = arith.constant 9 : i32
      %dma_wait3A_363 = arith.constant 1152 : i32
      %dma_wait3A_364 = arith.constant 0 : i32
      %dma_wait3A_365 = tpu.memref_slice %arg6[%dma_wait3A_363, %dma_wait3A_364] : memref<1664x32xf32, #tpu.memory_space<vmem>> -> memref<128x32xf32, #tpu.memory_space<vmem>>
      %dma_wait3A_366 = arith.constant 0 : i32
      %dma_wait3A_367 = tpu.memref_slice %arg5[%add3A_11, %dma_wait3A_362, %dma_wait3A_366] : memref<8x13x128xi32, #tpu.memory_space<vmem>> -> memref<1x1x128xi32, #tpu.memory_space<vmem>>
      %dma_wait3A_368 = tpu.memref_squeeze %dma_wait3A_367 : memref<1x1x128xi32, #tpu.memory_space<vmem>> -> memref<128xi32, #tpu.memory_space<vmem>>
      %dma_wait3A_369 = arith.constant 0 : i32
      %dma_wait3A_370 = arith.constant 0 : i32
      %dma_wait3A_371 = tpu.memref_slice %arg2[%dma_wait3A_369, %dma_wait3A_370] : memref<2600000x32xf32, #tpu.memory_space<hbm>> -> memref<2600000x32xf32, #tpu.memory_space<hbm>>
      tpu.wait_indirect_dma semaphore(%arg8 : memref<!tpu.dma_semaphore, #tpu.memory_space<semaphore_mem>>) src(%dma_wait3A_371 : memref<2600000x32xf32, #tpu.memory_space<hbm>>) dst(%dma_wait3A_365 : memref<128x32xf32, #tpu.memory_space<vmem>>)
      %dma_wait3A_372 = arith.constant 10 : i32
      %dma_wait3A_373 = arith.constant 1280 : i32
      %dma_wait3A_374 = arith.constant 0 : i32
      %dma_wait3A_375 = tpu.memref_slice %arg6[%dma_wait3A_373, %dma_wait3A_374] : memref<1664x32xf32, #tpu.memory_space<vmem>> -> memref<128x32xf32, #tpu.memory_space<vmem>>
      %dma_wait3A_376 = arith.constant 0 : i32
      %dma_wait3A_377 = tpu.memref_slice %arg5[%add3A_11, %dma_wait3A_372, %dma_wait3A_376] : memref<8x13x128xi32, #tpu.memory_space<vmem>> -> memref<1x1x128xi32, #tpu.memory_space<vmem>>
      %dma_wait3A_378 = tpu.memref_squeeze %dma_wait3A_377 : memref<1x1x128xi32, #tpu.memory_space<vmem>> -> memref<128xi32, #tpu.memory_space<vmem>>
      %dma_wait3A_379 = arith.constant 0 : i32
      %dma_wait3A_380 = arith.constant 0 : i32
      %dma_wait3A_381 = tpu.memref_slice %arg2[%dma_wait3A_379, %dma_wait3A_380] : memref<2600000x32xf32, #tpu.memory_space<hbm>> -> memref<2600000x32xf32, #tpu.memory_space<hbm>>
      tpu.wait_indirect_dma semaphore(%arg8 : memref<!tpu.dma_semaphore, #tpu.memory_space<semaphore_mem>>) src(%dma_wait3A_381 : memref<2600000x32xf32, #tpu.memory_space<hbm>>) dst(%dma_wait3A_375 : memref<128x32xf32, #tpu.memory_space<vmem>>)
      %dma_wait3A_382 = arith.constant 11 : i32
      %dma_wait3A_383 = arith.constant 1408 : i32
      %dma_wait3A_384 = arith.constant 0 : i32
      %dma_wait3A_385 = tpu.memref_slice %arg6[%dma_wait3A_383, %dma_wait3A_384] : memref<1664x32xf32, #tpu.memory_space<vmem>> -> memref<128x32xf32, #tpu.memory_space<vmem>>
      %dma_wait3A_386 = arith.constant 0 : i32
      %dma_wait3A_387 = tpu.memref_slice %arg5[%add3A_11, %dma_wait3A_382, %dma_wait3A_386] : memref<8x13x128xi32, #tpu.memory_space<vmem>> -> memref<1x1x128xi32, #tpu.memory_space<vmem>>
      %dma_wait3A_388 = tpu.memref_squeeze %dma_wait3A_387 : memref<1x1x128xi32, #tpu.memory_space<vmem>> -> memref<128xi32, #tpu.memory_space<vmem>>
      %dma_wait3A_389 = arith.constant 0 : i32
      %dma_wait3A_390 = arith.constant 0 : i32
      %dma_wait3A_391 = tpu.memref_slice %arg2[%dma_wait3A_389, %dma_wait3A_390] : memref<2600000x32xf32, #tpu.memory_space<hbm>> -> memref<2600000x32xf32, #tpu.memory_space<hbm>>
      tpu.wait_indirect_dma semaphore(%arg8 : memref<!tpu.dma_semaphore, #tpu.memory_space<semaphore_mem>>) src(%dma_wait3A_391 : memref<2600000x32xf32, #tpu.memory_space<hbm>>) dst(%dma_wait3A_385 : memref<128x32xf32, #tpu.memory_space<vmem>>)
      %dma_wait3A_392 = arith.constant 12 : i32
      %dma_wait3A_393 = arith.constant 1536 : i32
      %dma_wait3A_394 = arith.constant 0 : i32
      %dma_wait3A_395 = tpu.memref_slice %arg6[%dma_wait3A_393, %dma_wait3A_394] : memref<1664x32xf32, #tpu.memory_space<vmem>> -> memref<128x32xf32, #tpu.memory_space<vmem>>
      %dma_wait3A_396 = arith.constant 0 : i32
      %dma_wait3A_397 = tpu.memref_slice %arg5[%add3A_11, %dma_wait3A_392, %dma_wait3A_396] : memref<8x13x128xi32, #tpu.memory_space<vmem>> -> memref<1x1x128xi32, #tpu.memory_space<vmem>>
      %dma_wait3A_398 = tpu.memref_squeeze %dma_wait3A_397 : memref<1x1x128xi32, #tpu.memory_space<vmem>> -> memref<128xi32, #tpu.memory_space<vmem>>
      %dma_wait3A_399 = arith.constant 0 : i32
      %dma_wait3A_400 = arith.constant 0 : i32
      %dma_wait3A_401 = tpu.memref_slice %arg2[%dma_wait3A_399, %dma_wait3A_400] : memref<2600000x32xf32, #tpu.memory_space<hbm>> -> memref<2600000x32xf32, #tpu.memory_space<hbm>>
      tpu.wait_indirect_dma semaphore(%arg8 : memref<!tpu.dma_semaphore, #tpu.memory_space<semaphore_mem>>) src(%dma_wait3A_401 : memref<2600000x32xf32, #tpu.memory_space<hbm>>) dst(%dma_wait3A_395 : memref<128x32xf32, #tpu.memory_space<vmem>>)
      %mul3A_402 = arith.constant 1664 : i32
      %mul3A_403 = arith.muli %add3A_11, %mul3A_402 : i32
      %add3A_404 = arith.addi %mul3A_2, %mul3A_403 : i32
      "tpu.region"() ({
        %run_scoped3A = tpu.sem_alloc : memref<!tpu.dma_semaphore, #tpu.memory_space<semaphore_mem>>
        %dma_start3A_540 = arith.constant 0 : i32
        %dma_start3A_541 = tpu.memref_slice %arg4[%add3A_404, %dma_start3A_540] : memref<425984x32xf32, #tpu.memory_space<hbm>> -> memref<1664x32xf32, #tpu.memory_space<hbm>>
        %dma_start3A_542 = arith.constant 0 : i32
        %dma_start3A_543 = tpu.memref_slice %arg4[%add3A_404, %dma_start3A_542] : memref<425984x32xf32, #tpu.memory_space<hbm>> -> memref<1664x32xf32, #tpu.memory_space<hbm>>
        tpu.enqueue_dma source(%arg6 : memref<1664x32xf32, #tpu.memory_space<vmem>>) target(%dma_start3A_543 : memref<1664x32xf32, #tpu.memory_space<hbm>>) target_semaphore(%run_scoped3A : memref<!tpu.dma_semaphore, #tpu.memory_space<semaphore_mem>>)
        %dma_wait3A_544 = arith.constant 0 : i32
        %dma_wait3A_545 = tpu.memref_slice %arg4[%add3A_404, %dma_wait3A_544] : memref<425984x32xf32, #tpu.memory_space<hbm>> -> memref<1664x32xf32, #tpu.memory_space<hbm>>
        %dma_wait3A_546 = arith.constant 0 : i32
        %dma_wait3A_547 = tpu.memref_slice %arg4[%add3A_404, %dma_wait3A_546] : memref<425984x32xf32, #tpu.memory_space<hbm>> -> memref<1664x32xf32, #tpu.memory_space<hbm>>
        tpu.wait_dma2 semaphore(%run_scoped3A : memref<!tpu.dma_semaphore, #tpu.memory_space<semaphore_mem>>) src(%arg6 : memref<1664x32xf32, #tpu.memory_space<vmem>>) dst(%dma_wait3A_547 : memref<1664x32xf32, #tpu.memory_space<hbm>>)
        tpu.yield
      }) : () -> ()
      %dma_wait3A_405 = arith.constant 0 : i32
      %dma_wait3A_406 = arith.constant 0 : i32
      %dma_wait3A_407 = arith.constant 0 : i32
      %dma_wait3A_408 = tpu.memref_slice %arg7[%dma_wait3A_406, %dma_wait3A_407] : memref<1664x32xf32, #tpu.memory_space<vmem>> -> memref<128x32xf32, #tpu.memory_space<vmem>>
      %dma_wait3A_409 = arith.constant 0 : i32
      %dma_wait3A_410 = tpu.memref_slice %arg5[%add3A_142, %dma_wait3A_405, %dma_wait3A_409] : memref<8x13x128xi32, #tpu.memory_space<vmem>> -> memref<1x1x128xi32, #tpu.memory_space<vmem>>
      %dma_wait3A_411 = tpu.memref_squeeze %dma_wait3A_410 : memref<1x1x128xi32, #tpu.memory_space<vmem>> -> memref<128xi32, #tpu.memory_space<vmem>>
      %dma_wait3A_412 = arith.constant 0 : i32
      %dma_wait3A_413 = arith.constant 0 : i32
      %dma_wait3A_414 = tpu.memref_slice %arg2[%dma_wait3A_412, %dma_wait3A_413] : memref<2600000x32xf32, #tpu.memory_space<hbm>> -> memref<2600000x32xf32, #tpu.memory_space<hbm>>
      tpu.wait_indirect_dma semaphore(%arg9 : memref<!tpu.dma_semaphore, #tpu.memory_space<semaphore_mem>>) src(%dma_wait3A_414 : memref<2600000x32xf32, #tpu.memory_space<hbm>>) dst(%dma_wait3A_408 : memref<128x32xf32, #tpu.memory_space<vmem>>)
      %dma_wait3A_415 = arith.constant 1 : i32
      %dma_wait3A_416 = arith.constant 128 : i32
      %dma_wait3A_417 = arith.constant 0 : i32
      %dma_wait3A_418 = tpu.memref_slice %arg7[%dma_wait3A_416, %dma_wait3A_417] : memref<1664x32xf32, #tpu.memory_space<vmem>> -> memref<128x32xf32, #tpu.memory_space<vmem>>
      %dma_wait3A_419 = arith.constant 0 : i32
      %dma_wait3A_420 = tpu.memref_slice %arg5[%add3A_142, %dma_wait3A_415, %dma_wait3A_419] : memref<8x13x128xi32, #tpu.memory_space<vmem>> -> memref<1x1x128xi32, #tpu.memory_space<vmem>>
      %dma_wait3A_421 = tpu.memref_squeeze %dma_wait3A_420 : memref<1x1x128xi32, #tpu.memory_space<vmem>> -> memref<128xi32, #tpu.memory_space<vmem>>
      %dma_wait3A_422 = arith.constant 0 : i32
      %dma_wait3A_423 = arith.constant 0 : i32
      %dma_wait3A_424 = tpu.memref_slice %arg2[%dma_wait3A_422, %dma_wait3A_423] : memref<2600000x32xf32, #tpu.memory_space<hbm>> -> memref<2600000x32xf32, #tpu.memory_space<hbm>>
      tpu.wait_indirect_dma semaphore(%arg9 : memref<!tpu.dma_semaphore, #tpu.memory_space<semaphore_mem>>) src(%dma_wait3A_424 : memref<2600000x32xf32, #tpu.memory_space<hbm>>) dst(%dma_wait3A_418 : memref<128x32xf32, #tpu.memory_space<vmem>>)
      %dma_wait3A_425 = arith.constant 2 : i32
      %dma_wait3A_426 = arith.constant 256 : i32
      %dma_wait3A_427 = arith.constant 0 : i32
      %dma_wait3A_428 = tpu.memref_slice %arg7[%dma_wait3A_426, %dma_wait3A_427] : memref<1664x32xf32, #tpu.memory_space<vmem>> -> memref<128x32xf32, #tpu.memory_space<vmem>>
      %dma_wait3A_429 = arith.constant 0 : i32
      %dma_wait3A_430 = tpu.memref_slice %arg5[%add3A_142, %dma_wait3A_425, %dma_wait3A_429] : memref<8x13x128xi32, #tpu.memory_space<vmem>> -> memref<1x1x128xi32, #tpu.memory_space<vmem>>
      %dma_wait3A_431 = tpu.memref_squeeze %dma_wait3A_430 : memref<1x1x128xi32, #tpu.memory_space<vmem>> -> memref<128xi32, #tpu.memory_space<vmem>>
      %dma_wait3A_432 = arith.constant 0 : i32
      %dma_wait3A_433 = arith.constant 0 : i32
      %dma_wait3A_434 = tpu.memref_slice %arg2[%dma_wait3A_432, %dma_wait3A_433] : memref<2600000x32xf32, #tpu.memory_space<hbm>> -> memref<2600000x32xf32, #tpu.memory_space<hbm>>
      tpu.wait_indirect_dma semaphore(%arg9 : memref<!tpu.dma_semaphore, #tpu.memory_space<semaphore_mem>>) src(%dma_wait3A_434 : memref<2600000x32xf32, #tpu.memory_space<hbm>>) dst(%dma_wait3A_428 : memref<128x32xf32, #tpu.memory_space<vmem>>)
      %dma_wait3A_435 = arith.constant 3 : i32
      %dma_wait3A_436 = arith.constant 384 : i32
      %dma_wait3A_437 = arith.constant 0 : i32
      %dma_wait3A_438 = tpu.memref_slice %arg7[%dma_wait3A_436, %dma_wait3A_437] : memref<1664x32xf32, #tpu.memory_space<vmem>> -> memref<128x32xf32, #tpu.memory_space<vmem>>
      %dma_wait3A_439 = arith.constant 0 : i32
      %dma_wait3A_440 = tpu.memref_slice %arg5[%add3A_142, %dma_wait3A_435, %dma_wait3A_439] : memref<8x13x128xi32, #tpu.memory_space<vmem>> -> memref<1x1x128xi32, #tpu.memory_space<vmem>>
      %dma_wait3A_441 = tpu.memref_squeeze %dma_wait3A_440 : memref<1x1x128xi32, #tpu.memory_space<vmem>> -> memref<128xi32, #tpu.memory_space<vmem>>
      %dma_wait3A_442 = arith.constant 0 : i32
      %dma_wait3A_443 = arith.constant 0 : i32
      %dma_wait3A_444 = tpu.memref_slice %arg2[%dma_wait3A_442, %dma_wait3A_443] : memref<2600000x32xf32, #tpu.memory_space<hbm>> -> memref<2600000x32xf32, #tpu.memory_space<hbm>>
      tpu.wait_indirect_dma semaphore(%arg9 : memref<!tpu.dma_semaphore, #tpu.memory_space<semaphore_mem>>) src(%dma_wait3A_444 : memref<2600000x32xf32, #tpu.memory_space<hbm>>) dst(%dma_wait3A_438 : memref<128x32xf32, #tpu.memory_space<vmem>>)
      %dma_wait3A_445 = arith.constant 4 : i32
      %dma_wait3A_446 = arith.constant 512 : i32
      %dma_wait3A_447 = arith.constant 0 : i32
      %dma_wait3A_448 = tpu.memref_slice %arg7[%dma_wait3A_446, %dma_wait3A_447] : memref<1664x32xf32, #tpu.memory_space<vmem>> -> memref<128x32xf32, #tpu.memory_space<vmem>>
      %dma_wait3A_449 = arith.constant 0 : i32
      %dma_wait3A_450 = tpu.memref_slice %arg5[%add3A_142, %dma_wait3A_445, %dma_wait3A_449] : memref<8x13x128xi32, #tpu.memory_space<vmem>> -> memref<1x1x128xi32, #tpu.memory_space<vmem>>
      %dma_wait3A_451 = tpu.memref_squeeze %dma_wait3A_450 : memref<1x1x128xi32, #tpu.memory_space<vmem>> -> memref<128xi32, #tpu.memory_space<vmem>>
      %dma_wait3A_452 = arith.constant 0 : i32
      %dma_wait3A_453 = arith.constant 0 : i32
      %dma_wait3A_454 = tpu.memref_slice %arg2[%dma_wait3A_452, %dma_wait3A_453] : memref<2600000x32xf32, #tpu.memory_space<hbm>> -> memref<2600000x32xf32, #tpu.memory_space<hbm>>
      tpu.wait_indirect_dma semaphore(%arg9 : memref<!tpu.dma_semaphore, #tpu.memory_space<semaphore_mem>>) src(%dma_wait3A_454 : memref<2600000x32xf32, #tpu.memory_space<hbm>>) dst(%dma_wait3A_448 : memref<128x32xf32, #tpu.memory_space<vmem>>)
      %dma_wait3A_455 = arith.constant 5 : i32
      %dma_wait3A_456 = arith.constant 640 : i32
      %dma_wait3A_457 = arith.constant 0 : i32
      %dma_wait3A_458 = tpu.memref_slice %arg7[%dma_wait3A_456, %dma_wait3A_457] : memref<1664x32xf32, #tpu.memory_space<vmem>> -> memref<128x32xf32, #tpu.memory_space<vmem>>
      %dma_wait3A_459 = arith.constant 0 : i32
      %dma_wait3A_460 = tpu.memref_slice %arg5[%add3A_142, %dma_wait3A_455, %dma_wait3A_459] : memref<8x13x128xi32, #tpu.memory_space<vmem>> -> memref<1x1x128xi32, #tpu.memory_space<vmem>>
      %dma_wait3A_461 = tpu.memref_squeeze %dma_wait3A_460 : memref<1x1x128xi32, #tpu.memory_space<vmem>> -> memref<128xi32, #tpu.memory_space<vmem>>
      %dma_wait3A_462 = arith.constant 0 : i32
      %dma_wait3A_463 = arith.constant 0 : i32
      %dma_wait3A_464 = tpu.memref_slice %arg2[%dma_wait3A_462, %dma_wait3A_463] : memref<2600000x32xf32, #tpu.memory_space<hbm>> -> memref<2600000x32xf32, #tpu.memory_space<hbm>>
      tpu.wait_indirect_dma semaphore(%arg9 : memref<!tpu.dma_semaphore, #tpu.memory_space<semaphore_mem>>) src(%dma_wait3A_464 : memref<2600000x32xf32, #tpu.memory_space<hbm>>) dst(%dma_wait3A_458 : memref<128x32xf32, #tpu.memory_space<vmem>>)
      %dma_wait3A_465 = arith.constant 6 : i32
      %dma_wait3A_466 = arith.constant 768 : i32
      %dma_wait3A_467 = arith.constant 0 : i32
      %dma_wait3A_468 = tpu.memref_slice %arg7[%dma_wait3A_466, %dma_wait3A_467] : memref<1664x32xf32, #tpu.memory_space<vmem>> -> memref<128x32xf32, #tpu.memory_space<vmem>>
      %dma_wait3A_469 = arith.constant 0 : i32
      %dma_wait3A_470 = tpu.memref_slice %arg5[%add3A_142, %dma_wait3A_465, %dma_wait3A_469] : memref<8x13x128xi32, #tpu.memory_space<vmem>> -> memref<1x1x128xi32, #tpu.memory_space<vmem>>
      %dma_wait3A_471 = tpu.memref_squeeze %dma_wait3A_470 : memref<1x1x128xi32, #tpu.memory_space<vmem>> -> memref<128xi32, #tpu.memory_space<vmem>>
      %dma_wait3A_472 = arith.constant 0 : i32
      %dma_wait3A_473 = arith.constant 0 : i32
      %dma_wait3A_474 = tpu.memref_slice %arg2[%dma_wait3A_472, %dma_wait3A_473] : memref<2600000x32xf32, #tpu.memory_space<hbm>> -> memref<2600000x32xf32, #tpu.memory_space<hbm>>
      tpu.wait_indirect_dma semaphore(%arg9 : memref<!tpu.dma_semaphore, #tpu.memory_space<semaphore_mem>>) src(%dma_wait3A_474 : memref<2600000x32xf32, #tpu.memory_space<hbm>>) dst(%dma_wait3A_468 : memref<128x32xf32, #tpu.memory_space<vmem>>)
      %dma_wait3A_475 = arith.constant 7 : i32
      %dma_wait3A_476 = arith.constant 896 : i32
      %dma_wait3A_477 = arith.constant 0 : i32
      %dma_wait3A_478 = tpu.memref_slice %arg7[%dma_wait3A_476, %dma_wait3A_477] : memref<1664x32xf32, #tpu.memory_space<vmem>> -> memref<128x32xf32, #tpu.memory_space<vmem>>
      %dma_wait3A_479 = arith.constant 0 : i32
      %dma_wait3A_480 = tpu.memref_slice %arg5[%add3A_142, %dma_wait3A_475, %dma_wait3A_479] : memref<8x13x128xi32, #tpu.memory_space<vmem>> -> memref<1x1x128xi32, #tpu.memory_space<vmem>>
      %dma_wait3A_481 = tpu.memref_squeeze %dma_wait3A_480 : memref<1x1x128xi32, #tpu.memory_space<vmem>> -> memref<128xi32, #tpu.memory_space<vmem>>
      %dma_wait3A_482 = arith.constant 0 : i32
      %dma_wait3A_483 = arith.constant 0 : i32
      %dma_wait3A_484 = tpu.memref_slice %arg2[%dma_wait3A_482, %dma_wait3A_483] : memref<2600000x32xf32, #tpu.memory_space<hbm>> -> memref<2600000x32xf32, #tpu.memory_space<hbm>>
      tpu.wait_indirect_dma semaphore(%arg9 : memref<!tpu.dma_semaphore, #tpu.memory_space<semaphore_mem>>) src(%dma_wait3A_484 : memref<2600000x32xf32, #tpu.memory_space<hbm>>) dst(%dma_wait3A_478 : memref<128x32xf32, #tpu.memory_space<vmem>>)
      %dma_wait3A_485 = arith.constant 8 : i32
      %dma_wait3A_486 = arith.constant 1024 : i32
      %dma_wait3A_487 = arith.constant 0 : i32
      %dma_wait3A_488 = tpu.memref_slice %arg7[%dma_wait3A_486, %dma_wait3A_487] : memref<1664x32xf32, #tpu.memory_space<vmem>> -> memref<128x32xf32, #tpu.memory_space<vmem>>
      %dma_wait3A_489 = arith.constant 0 : i32
      %dma_wait3A_490 = tpu.memref_slice %arg5[%add3A_142, %dma_wait3A_485, %dma_wait3A_489] : memref<8x13x128xi32, #tpu.memory_space<vmem>> -> memref<1x1x128xi32, #tpu.memory_space<vmem>>
      %dma_wait3A_491 = tpu.memref_squeeze %dma_wait3A_490 : memref<1x1x128xi32, #tpu.memory_space<vmem>> -> memref<128xi32, #tpu.memory_space<vmem>>
      %dma_wait3A_492 = arith.constant 0 : i32
      %dma_wait3A_493 = arith.constant 0 : i32
      %dma_wait3A_494 = tpu.memref_slice %arg2[%dma_wait3A_492, %dma_wait3A_493] : memref<2600000x32xf32, #tpu.memory_space<hbm>> -> memref<2600000x32xf32, #tpu.memory_space<hbm>>
      tpu.wait_indirect_dma semaphore(%arg9 : memref<!tpu.dma_semaphore, #tpu.memory_space<semaphore_mem>>) src(%dma_wait3A_494 : memref<2600000x32xf32, #tpu.memory_space<hbm>>) dst(%dma_wait3A_488 : memref<128x32xf32, #tpu.memory_space<vmem>>)
      %dma_wait3A_495 = arith.constant 9 : i32
      %dma_wait3A_496 = arith.constant 1152 : i32
      %dma_wait3A_497 = arith.constant 0 : i32
      %dma_wait3A_498 = tpu.memref_slice %arg7[%dma_wait3A_496, %dma_wait3A_497] : memref<1664x32xf32, #tpu.memory_space<vmem>> -> memref<128x32xf32, #tpu.memory_space<vmem>>
      %dma_wait3A_499 = arith.constant 0 : i32
      %dma_wait3A_500 = tpu.memref_slice %arg5[%add3A_142, %dma_wait3A_495, %dma_wait3A_499] : memref<8x13x128xi32, #tpu.memory_space<vmem>> -> memref<1x1x128xi32, #tpu.memory_space<vmem>>
      %dma_wait3A_501 = tpu.memref_squeeze %dma_wait3A_500 : memref<1x1x128xi32, #tpu.memory_space<vmem>> -> memref<128xi32, #tpu.memory_space<vmem>>
      %dma_wait3A_502 = arith.constant 0 : i32
      %dma_wait3A_503 = arith.constant 0 : i32
      %dma_wait3A_504 = tpu.memref_slice %arg2[%dma_wait3A_502, %dma_wait3A_503] : memref<2600000x32xf32, #tpu.memory_space<hbm>> -> memref<2600000x32xf32, #tpu.memory_space<hbm>>
      tpu.wait_indirect_dma semaphore(%arg9 : memref<!tpu.dma_semaphore, #tpu.memory_space<semaphore_mem>>) src(%dma_wait3A_504 : memref<2600000x32xf32, #tpu.memory_space<hbm>>) dst(%dma_wait3A_498 : memref<128x32xf32, #tpu.memory_space<vmem>>)
      %dma_wait3A_505 = arith.constant 10 : i32
      %dma_wait3A_506 = arith.constant 1280 : i32
      %dma_wait3A_507 = arith.constant 0 : i32
      %dma_wait3A_508 = tpu.memref_slice %arg7[%dma_wait3A_506, %dma_wait3A_507] : memref<1664x32xf32, #tpu.memory_space<vmem>> -> memref<128x32xf32, #tpu.memory_space<vmem>>
      %dma_wait3A_509 = arith.constant 0 : i32
      %dma_wait3A_510 = tpu.memref_slice %arg5[%add3A_142, %dma_wait3A_505, %dma_wait3A_509] : memref<8x13x128xi32, #tpu.memory_space<vmem>> -> memref<1x1x128xi32, #tpu.memory_space<vmem>>
      %dma_wait3A_511 = tpu.memref_squeeze %dma_wait3A_510 : memref<1x1x128xi32, #tpu.memory_space<vmem>> -> memref<128xi32, #tpu.memory_space<vmem>>
      %dma_wait3A_512 = arith.constant 0 : i32
      %dma_wait3A_513 = arith.constant 0 : i32
      %dma_wait3A_514 = tpu.memref_slice %arg2[%dma_wait3A_512, %dma_wait3A_513] : memref<2600000x32xf32, #tpu.memory_space<hbm>> -> memref<2600000x32xf32, #tpu.memory_space<hbm>>
      tpu.wait_indirect_dma semaphore(%arg9 : memref<!tpu.dma_semaphore, #tpu.memory_space<semaphore_mem>>) src(%dma_wait3A_514 : memref<2600000x32xf32, #tpu.memory_space<hbm>>) dst(%dma_wait3A_508 : memref<128x32xf32, #tpu.memory_space<vmem>>)
      %dma_wait3A_515 = arith.constant 11 : i32
      %dma_wait3A_516 = arith.constant 1408 : i32
      %dma_wait3A_517 = arith.constant 0 : i32
      %dma_wait3A_518 = tpu.memref_slice %arg7[%dma_wait3A_516, %dma_wait3A_517] : memref<1664x32xf32, #tpu.memory_space<vmem>> -> memref<128x32xf32, #tpu.memory_space<vmem>>
      %dma_wait3A_519 = arith.constant 0 : i32
      %dma_wait3A_520 = tpu.memref_slice %arg5[%add3A_142, %dma_wait3A_515, %dma_wait3A_519] : memref<8x13x128xi32, #tpu.memory_space<vmem>> -> memref<1x1x128xi32, #tpu.memory_space<vmem>>
      %dma_wait3A_521 = tpu.memref_squeeze %dma_wait3A_520 : memref<1x1x128xi32, #tpu.memory_space<vmem>> -> memref<128xi32, #tpu.memory_space<vmem>>
      %dma_wait3A_522 = arith.constant 0 : i32
      %dma_wait3A_523 = arith.constant 0 : i32
      %dma_wait3A_524 = tpu.memref_slice %arg2[%dma_wait3A_522, %dma_wait3A_523] : memref<2600000x32xf32, #tpu.memory_space<hbm>> -> memref<2600000x32xf32, #tpu.memory_space<hbm>>
      tpu.wait_indirect_dma semaphore(%arg9 : memref<!tpu.dma_semaphore, #tpu.memory_space<semaphore_mem>>) src(%dma_wait3A_524 : memref<2600000x32xf32, #tpu.memory_space<hbm>>) dst(%dma_wait3A_518 : memref<128x32xf32, #tpu.memory_space<vmem>>)
      %dma_wait3A_525 = arith.constant 12 : i32
      %dma_wait3A_526 = arith.constant 1536 : i32
      %dma_wait3A_527 = arith.constant 0 : i32
      %dma_wait3A_528 = tpu.memref_slice %arg7[%dma_wait3A_526, %dma_wait3A_527] : memref<1664x32xf32, #tpu.memory_space<vmem>> -> memref<128x32xf32, #tpu.memory_space<vmem>>
      %dma_wait3A_529 = arith.constant 0 : i32
      %dma_wait3A_530 = tpu.memref_slice %arg5[%add3A_142, %dma_wait3A_525, %dma_wait3A_529] : memref<8x13x128xi32, #tpu.memory_space<vmem>> -> memref<1x1x128xi32, #tpu.memory_space<vmem>>
      %dma_wait3A_531 = tpu.memref_squeeze %dma_wait3A_530 : memref<1x1x128xi32, #tpu.memory_space<vmem>> -> memref<128xi32, #tpu.memory_space<vmem>>
      %dma_wait3A_532 = arith.constant 0 : i32
      %dma_wait3A_533 = arith.constant 0 : i32
      %dma_wait3A_534 = tpu.memref_slice %arg2[%dma_wait3A_532, %dma_wait3A_533] : memref<2600000x32xf32, #tpu.memory_space<hbm>> -> memref<2600000x32xf32, #tpu.memory_space<hbm>>
      tpu.wait_indirect_dma semaphore(%arg9 : memref<!tpu.dma_semaphore, #tpu.memory_space<semaphore_mem>>) src(%dma_wait3A_534 : memref<2600000x32xf32, #tpu.memory_space<hbm>>) dst(%dma_wait3A_528 : memref<128x32xf32, #tpu.memory_space<vmem>>)
      %add3A_535 = arith.constant 1 : i32
      %add3A_536 = arith.addi %add3A_11, %add3A_535 : i32
      %mul3A_537 = arith.constant 1664 : i32
      %mul3A_538 = arith.muli %add3A_536, %mul3A_537 : i32
      %add3A_539 = arith.addi %mul3A_2, %mul3A_538 : i32
      "tpu.region"() ({
        %run_scoped3A = tpu.sem_alloc : memref<!tpu.dma_semaphore, #tpu.memory_space<semaphore_mem>>
        %dma_start3A_540 = arith.constant 0 : i32
        %dma_start3A_541 = tpu.memref_slice %arg4[%add3A_539, %dma_start3A_540] : memref<425984x32xf32, #tpu.memory_space<hbm>> -> memref<1664x32xf32, #tpu.memory_space<hbm>>
        %dma_start3A_542 = arith.constant 0 : i32
        %dma_start3A_543 = tpu.memref_slice %arg4[%add3A_539, %dma_start3A_542] : memref<425984x32xf32, #tpu.memory_space<hbm>> -> memref<1664x32xf32, #tpu.memory_space<hbm>>
        tpu.enqueue_dma source(%arg7 : memref<1664x32xf32, #tpu.memory_space<vmem>>) target(%dma_start3A_543 : memref<1664x32xf32, #tpu.memory_space<hbm>>) target_semaphore(%run_scoped3A : memref<!tpu.dma_semaphore, #tpu.memory_space<semaphore_mem>>)
        %dma_wait3A_544 = arith.constant 0 : i32
        %dma_wait3A_545 = tpu.memref_slice %arg4[%add3A_539, %dma_wait3A_544] : memref<425984x32xf32, #tpu.memory_space<hbm>> -> memref<1664x32xf32, #tpu.memory_space<hbm>>
        %dma_wait3A_546 = arith.constant 0 : i32
        %dma_wait3A_547 = tpu.memref_slice %arg4[%add3A_539, %dma_wait3A_546] : memref<425984x32xf32, #tpu.memory_space<hbm>> -> memref<1664x32xf32, #tpu.memory_space<hbm>>
        tpu.wait_dma2 semaphore(%run_scoped3A : memref<!tpu.dma_semaphore, #tpu.memory_space<semaphore_mem>>) src(%arg7 : memref<1664x32xf32, #tpu.memory_space<vmem>>) dst(%dma_wait3A_547 : memref<1664x32xf32, #tpu.memory_space<hbm>>)
        tpu.yield
      }) : () -> ()
    }
    %scan3A_6 = arith.constant 4 : i32
    return
  }
}

module attributes {stable_mosaic.version = 14 : i64} {
  func.func @body(%arg0: i32, %arg1: memref<1x32x100000xf32, #tpu.memory_space<vmem>>, %arg2: memref<25000x128xf32, #tpu.memory_space<vmem>>) attributes {dimension_semantics = [#tpu.dimension_semantics<arbitrary>], iteration_bounds = array<i64: 26>, scalar_prefetch = 0 : i64, scratch_operands = 0 : i64, tpu.core_type = #tpu.core_type<tc>, window_params = [{transform_indices = @transform_0, window_bounds = array<i64: 1, 32, 100000>}, {transform_indices = @transform_1, window_bounds = array<i64: 25000, 128>}]} {
    %get3A = arith.constant 0 : index
    %get3A_0 = arith.constant 0 : index
    %get3A_1 = arith.constant 0 : index
    %get3A_2 = vector.load %arg1[%get3A, %get3A_0, %get3A_1] : memref<1x32x100000xf32, #tpu.memory_space<vmem>>, vector<1x32x12500xf32>
    %get3A_3 = vector.shape_cast %get3A_2 : vector<1x32x12500xf32> to vector<32x12500xf32>
    %transpose3A = tpu.transpose %get3A_3, [1, 0] : vector<32x12500xf32> -> vector<12500x32xf32>
    %swap3A = arith.constant 0 : index
    %swap3A_4 = arith.constant 0 : index
    %swap3A_5 = vector.load %arg2[%swap3A, %swap3A_4] : memref<25000x128xf32, #tpu.memory_space<vmem>>, vector<12500x32xf32>
    tpu.vector_store %arg2[%swap3A, %swap3A_4], %transpose3A {strides = array<i32>} : memref<25000x128xf32, #tpu.memory_space<vmem>>, vector<12500x32xf32>,
    %get3A_6 = arith.constant 0 : index
    %get3A_7 = arith.constant 0 : index
    %get3A_8 = arith.constant 12500 : index
    %get3A_9 = vector.load %arg1[%get3A_6, %get3A_7, %get3A_8] : memref<1x32x100000xf32, #tpu.memory_space<vmem>>, vector<1x32x12500xf32>
    %get3A_10 = vector.shape_cast %get3A_9 : vector<1x32x12500xf32> to vector<32x12500xf32>
    %transpose3A_11 = tpu.transpose %get3A_10, [1, 0] : vector<32x12500xf32> -> vector<12500x32xf32>
    %swap3A_12 = arith.constant 12500 : index
    %swap3A_13 = arith.constant 0 : index
    %swap3A_14 = vector.load %arg2[%swap3A_12, %swap3A_13] : memref<25000x128xf32, #tpu.memory_space<vmem>>, vector<12500x32xf32>
    tpu.vector_store %arg2[%swap3A_12, %swap3A_13], %transpose3A_11 {strides = array<i32>} : memref<25000x128xf32, #tpu.memory_space<vmem>>, vector<12500x32xf32>,
    %get3A_15 = arith.constant 0 : index
    %get3A_16 = arith.constant 0 : index
    %get3A_17 = arith.constant 25000 : index
    %get3A_18 = vector.load %arg1[%get3A_15, %get3A_16, %get3A_17] : memref<1x32x100000xf32, #tpu.memory_space<vmem>>, vector<1x32x12500xf32>
    %get3A_19 = vector.shape_cast %get3A_18 : vector<1x32x12500xf32> to vector<32x12500xf32>
    %transpose3A_20 = tpu.transpose %get3A_19, [1, 0] : vector<32x12500xf32> -> vector<12500x32xf32>
    %swap3A_21 = arith.constant 0 : index
    %swap3A_22 = arith.constant 32 : index
    %swap3A_23 = vector.load %arg2[%swap3A_21, %swap3A_22] : memref<25000x128xf32, #tpu.memory_space<vmem>>, vector<12500x32xf32>
    tpu.vector_store %arg2[%swap3A_21, %swap3A_22], %transpose3A_20 {strides = array<i32>} : memref<25000x128xf32, #tpu.memory_space<vmem>>, vector<12500x32xf32>,
    %get3A_24 = arith.constant 0 : index
    %get3A_25 = arith.constant 0 : index
    %get3A_26 = arith.constant 37500 : index
    %get3A_27 = vector.load %arg1[%get3A_24, %get3A_25, %get3A_26] : memref<1x32x100000xf32, #tpu.memory_space<vmem>>, vector<1x32x12500xf32>
    %get3A_28 = vector.shape_cast %get3A_27 : vector<1x32x12500xf32> to vector<32x12500xf32>
    %transpose3A_29 = tpu.transpose %get3A_28, [1, 0] : vector<32x12500xf32> -> vector<12500x32xf32>
    %swap3A_30 = arith.constant 12500 : index
    %swap3A_31 = arith.constant 32 : index
    %swap3A_32 = vector.load %arg2[%swap3A_30, %swap3A_31] : memref<25000x128xf32, #tpu.memory_space<vmem>>, vector<12500x32xf32>
    tpu.vector_store %arg2[%swap3A_30, %swap3A_31], %transpose3A_29 {strides = array<i32>} : memref<25000x128xf32, #tpu.memory_space<vmem>>, vector<12500x32xf32>,
    %get3A_33 = arith.constant 0 : index
    %get3A_34 = arith.constant 0 : index
    %get3A_35 = arith.constant 50000 : index
    %get3A_36 = vector.load %arg1[%get3A_33, %get3A_34, %get3A_35] : memref<1x32x100000xf32, #tpu.memory_space<vmem>>, vector<1x32x12500xf32>
    %get3A_37 = vector.shape_cast %get3A_36 : vector<1x32x12500xf32> to vector<32x12500xf32>
    %transpose3A_38 = tpu.transpose %get3A_37, [1, 0] : vector<32x12500xf32> -> vector<12500x32xf32>
    %swap3A_39 = arith.constant 0 : index
    %swap3A_40 = arith.constant 64 : index
    %swap3A_41 = vector.load %arg2[%swap3A_39, %swap3A_40] : memref<25000x128xf32, #tpu.memory_space<vmem>>, vector<12500x32xf32>
    tpu.vector_store %arg2[%swap3A_39, %swap3A_40], %transpose3A_38 {strides = array<i32>} : memref<25000x128xf32, #tpu.memory_space<vmem>>, vector<12500x32xf32>,
    %get3A_42 = arith.constant 0 : index
    %get3A_43 = arith.constant 0 : index
    %get3A_44 = arith.constant 62500 : index
    %get3A_45 = vector.load %arg1[%get3A_42, %get3A_43, %get3A_44] : memref<1x32x100000xf32, #tpu.memory_space<vmem>>, vector<1x32x12500xf32>
    %get3A_46 = vector.shape_cast %get3A_45 : vector<1x32x12500xf32> to vector<32x12500xf32>
    %transpose3A_47 = tpu.transpose %get3A_46, [1, 0] : vector<32x12500xf32> -> vector<12500x32xf32>
    %swap3A_48 = arith.constant 12500 : index
    %swap3A_49 = arith.constant 64 : index
    %swap3A_50 = vector.load %arg2[%swap3A_48, %swap3A_49] : memref<25000x128xf32, #tpu.memory_space<vmem>>, vector<12500x32xf32>
    tpu.vector_store %arg2[%swap3A_48, %swap3A_49], %transpose3A_47 {strides = array<i32>} : memref<25000x128xf32, #tpu.memory_space<vmem>>, vector<12500x32xf32>,
    %get3A_51 = arith.constant 0 : index
    %get3A_52 = arith.constant 0 : index
    %get3A_53 = arith.constant 75000 : index
    %get3A_54 = vector.load %arg1[%get3A_51, %get3A_52, %get3A_53] : memref<1x32x100000xf32, #tpu.memory_space<vmem>>, vector<1x32x12500xf32>
    %get3A_55 = vector.shape_cast %get3A_54 : vector<1x32x12500xf32> to vector<32x12500xf32>
    %transpose3A_56 = tpu.transpose %get3A_55, [1, 0] : vector<32x12500xf32> -> vector<12500x32xf32>
    %swap3A_57 = arith.constant 0 : index
    %swap3A_58 = arith.constant 96 : index
    %swap3A_59 = vector.load %arg2[%swap3A_57, %swap3A_58] : memref<25000x128xf32, #tpu.memory_space<vmem>>, vector<12500x32xf32>
    tpu.vector_store %arg2[%swap3A_57, %swap3A_58], %transpose3A_56 {strides = array<i32>} : memref<25000x128xf32, #tpu.memory_space<vmem>>, vector<12500x32xf32>,
    %get3A_60 = arith.constant 0 : index
    %get3A_61 = arith.constant 0 : index
    %get3A_62 = arith.constant 87500 : index
    %get3A_63 = vector.load %arg1[%get3A_60, %get3A_61, %get3A_62] : memref<1x32x100000xf32, #tpu.memory_space<vmem>>, vector<1x32x12500xf32>
    %get3A_64 = vector.shape_cast %get3A_63 : vector<1x32x12500xf32> to vector<32x12500xf32>
    %transpose3A_65 = tpu.transpose %get3A_64, [1, 0] : vector<32x12500xf32> -> vector<12500x32xf32>
    %swap3A_66 = arith.constant 12500 : index
    %swap3A_67 = arith.constant 96 : index
    %swap3A_68 = vector.load %arg2[%swap3A_66, %swap3A_67] : memref<25000x128xf32, #tpu.memory_space<vmem>>, vector<12500x32xf32>
    tpu.vector_store %arg2[%swap3A_66, %swap3A_67], %transpose3A_65 {strides = array<i32>} : memref<25000x128xf32, #tpu.memory_space<vmem>>, vector<12500x32xf32>,
    return
  }
  func.func @transform_0(%arg0: i32) -> (i32, i32, i32) {
    %c0_i32 = arith.constant 0 : i32
    %c0_i32_0 = arith.constant 0 : i32
    %c0_i32_1 = arith.constant 0 : i32
    return %arg0, %c0_i32, %c0_i32_0 : i32, i32, i32
  }
  func.func @transform_1(%arg0: i32) -> (i32, i32) {
    %c0_i32 = arith.constant 0 : i32
    %c0_i32_0 = arith.constant 0 : i32
    return %arg0, %c0_i32 : i32, i32
  }
}

module attributes {stable_mosaic.version = 14 : i64} {
  func.func @body(%arg0: i32, %arg1: memref<1024x13xf32, #tpu.memory_space<vmem>>, %arg2: memref<1024x832xf32, #tpu.memory_space<vmem>>, %arg3: memref<13x512xf32, #tpu.memory_space<vmem>>, %arg4: memref<1x512xf32, #tpu.memory_space<vmem>>, %arg5: memref<512x256xf32, #tpu.memory_space<vmem>>, %arg6: memref<1x256xf32, #tpu.memory_space<vmem>>, %arg7: memref<256x32xf32, #tpu.memory_space<vmem>>, %arg8: memref<1x32xf32, #tpu.memory_space<vmem>>, %arg9: memref<729x512xf32, #tpu.memory_space<vmem>>, %arg10: memref<32x512xf32, #tpu.memory_space<vmem>>, %arg11: memref<1x512xf32, #tpu.memory_space<vmem>>, %arg12: memref<512x256xf32, #tpu.memory_space<vmem>>, %arg13: memref<1x256xf32, #tpu.memory_space<vmem>>, %arg14: memref<256x1xf32, #tpu.memory_space<vmem>>, %arg15: memref<1x1xf32, #tpu.memory_space<vmem>>, %arg16: memref<1024x1xf32, #tpu.memory_space<vmem>>) attributes {dimension_semantics = [#tpu.dimension_semantics<arbitrary>], iteration_bounds = array<i64: 16>, scalar_prefetch = 0 : i64, scratch_operands = 0 : i64, tpu.core_type = #tpu.core_type<tc>, window_params = [{transform_indices = @transform_0, window_bounds = array<i64: 1024, 13>}, {transform_indices = @transform_1, window_bounds = array<i64: 1024, 832>}, {pipeline_mode = #tpu.pipeline_mode<synchronous>, transform_indices = @transform_2, window_bounds = array<i64: 13, 512>}, {pipeline_mode = #tpu.pipeline_mode<synchronous>, transform_indices = @transform_3, window_bounds = array<i64: 1, 512>}, {pipeline_mode = #tpu.pipeline_mode<synchronous>, transform_indices = @transform_4, window_bounds = array<i64: 512, 256>}, {pipeline_mode = #tpu.pipeline_mode<synchronous>, transform_indices = @transform_5, window_bounds = array<i64: 1, 256>}, {pipeline_mode = #tpu.pipeline_mode<synchronous>, transform_indices = @transform_6, window_bounds = array<i64: 256, 32>}, {pipeline_mode = #tpu.pipeline_mode<synchronous>, transform_indices = @transform_7, window_bounds = array<i64: 1, 32>}, {pipeline_mode = #tpu.pipeline_mode<synchronous>, transform_indices = @transform_8, window_bounds = array<i64: 729, 512>}, {pipeline_mode = #tpu.pipeline_mode<synchronous>, transform_indices = @transform_9, window_bounds = array<i64: 32, 512>}, {pipeline_mode = #tpu.pipeline_mode<synchronous>, transform_indices = @transform_10, window_bounds = array<i64: 1, 512>}, {pipeline_mode = #tpu.pipeline_mode<synchronous>, transform_indices = @transform_11, window_bounds = array<i64: 512, 256>}, {pipeline_mode = #tpu.pipeline_mode<synchronous>, transform_indices = @transform_12, window_bounds = array<i64: 1, 256>}, {pipeline_mode = #tpu.pipeline_mode<synchronous>, transform_indices = @transform_13, window_bounds = array<i64: 256, 1>}, {pipeline_mode = #tpu.pipeline_mode<synchronous>, transform_indices = @transform_14, window_bounds = array<i64: 1, 1>}, {transform_indices = @transform_15, window_bounds = array<i64: 1024, 1>}]} {
    %get3A = arith.constant 0 : index
    %get3A_0 = arith.constant 0 : index
    %get3A_1 = vector.load %arg1[%get3A, %get3A_0] : memref<1024x13xf32, #tpu.memory_space<vmem>>, vector<1024x13xf32>
    %get3A_2 = arith.constant 0 : index
    %get3A_3 = arith.constant 0 : index
    %get3A_4 = vector.load %arg3[%get3A_2, %get3A_3] : memref<13x512xf32, #tpu.memory_space<vmem>>, vector<13x512xf32>
    %dot_general3A = arith.constant dense<0.000000e+00> : vector<1024x512xf32>
    %dot_general3A_5 = tpu.matmul %get3A_1, %get3A_4, %dot_general3A {dimension_numbers = #tpu.dot_dimension_numbers<[1], [0], [0], [1], [0, 0, 1, 1], [], []>, transpose_lhs_hint = false} : vector<1024x13xf32>, vector<13x512xf32>, vector<1024x512xf32> -> vector<1024x512xf32>
    %get3A_6 = arith.constant 0 : index
    %get3A_7 = arith.constant 0 : index
    %get3A_8 = vector.load %arg4[%get3A_6, %get3A_7] : memref<1x512xf32, #tpu.memory_space<vmem>>, vector<1x512xf32>
    %add3A = vector.broadcast %get3A_8 : vector<1x512xf32> to vector<1024x512xf32>
    %add3A_9 = arith.addf %dot_general3A_5, %add3A : vector<1024x512xf32>
    %max3A = arith.constant 0.000000e+00 : f32
    %max3A_10 = vector.broadcast %max3A : f32 to vector<1024x512xf32>
    %max3A_11 = arith.maximumf %add3A_9, %max3A_10 : vector<1024x512xf32>
    %get3A_12 = arith.constant 0 : index
    %get3A_13 = arith.constant 0 : index
    %get3A_14 = vector.load %arg5[%get3A_12, %get3A_13] : memref<512x256xf32, #tpu.memory_space<vmem>>, vector<512x256xf32>
    %dot_general3A_15 = arith.constant dense<0.000000e+00> : vector<1024x256xf32>
    %dot_general3A_16 = tpu.matmul %max3A_11, %get3A_14, %dot_general3A_15 {dimension_numbers = #tpu.dot_dimension_numbers<[1], [0], [0], [1], [0, 0, 1, 1], [], []>, transpose_lhs_hint = false} : vector<1024x512xf32>, vector<512x256xf32>, vector<1024x256xf32> -> vector<1024x256xf32>
    %get3A_17 = arith.constant 0 : index
    %get3A_18 = arith.constant 0 : index
    %get3A_19 = vector.load %arg6[%get3A_17, %get3A_18] : memref<1x256xf32, #tpu.memory_space<vmem>>, vector<1x256xf32>
    %add3A_20 = vector.broadcast %get3A_19 : vector<1x256xf32> to vector<1024x256xf32>
    %add3A_21 = arith.addf %dot_general3A_16, %add3A_20 : vector<1024x256xf32>
    %max3A_22 = arith.constant 0.000000e+00 : f32
    %max3A_23 = vector.broadcast %max3A_22 : f32 to vector<1024x256xf32>
    %max3A_24 = arith.maximumf %add3A_21, %max3A_23 : vector<1024x256xf32>
    %get3A_25 = arith.constant 0 : index
    %get3A_26 = arith.constant 0 : index
    %get3A_27 = vector.load %arg7[%get3A_25, %get3A_26] : memref<256x32xf32, #tpu.memory_space<vmem>>, vector<256x32xf32>
    %dot_general3A_28 = arith.constant dense<0.000000e+00> : vector<1024x32xf32>
    %dot_general3A_29 = tpu.matmul %max3A_24, %get3A_27, %dot_general3A_28 {dimension_numbers = #tpu.dot_dimension_numbers<[1], [0], [0], [1], [0, 0, 1, 1], [], []>, transpose_lhs_hint = false} : vector<1024x256xf32>, vector<256x32xf32>, vector<1024x32xf32> -> vector<1024x32xf32>
    %get3A_30 = arith.constant 0 : index
    %get3A_31 = arith.constant 0 : index
    %get3A_32 = vector.load %arg8[%get3A_30, %get3A_31] : memref<1x32xf32, #tpu.memory_space<vmem>>, vector<1x32xf32>
    %add3A_33 = vector.broadcast %get3A_32 : vector<1x32xf32> to vector<1024x32xf32>
    %add3A_34 = arith.addf %dot_general3A_29, %add3A_33 : vector<1024x32xf32>
    %get3A_35 = arith.constant 0 : index
    %get3A_36 = arith.constant 0 : index
    %get3A_37 = vector.load %arg2[%get3A_35, %get3A_36] : memref<1024x832xf32, #tpu.memory_space<vmem>>, vector<1024x832xf32>
    %concatenate3A = tpu.concatenate %add3A_34, %get3A_37 in 1 : vector<1024x32xf32>, vector<1024x832xf32> -> vector<1024x864xf32>
    %reshape3A = vector.shape_cast %concatenate3A : vector<1024x864xf32> to vector<1024x27x32xf32>
    %dot_general3A_38 = arith.constant dense<0.000000e+00> : vector<1024x27x27xf32>
    %dot_general3A_39 = tpu.matmul %reshape3A, %reshape3A, %dot_general3A_38 {dimension_numbers = #tpu.dot_dimension_numbers<[2], [2], [1], [1], [0, 0, 0, 1, 1, 1], [0], [0]>, transpose_lhs_hint = false} : vector<1024x27x32xf32>, vector<1024x27x32xf32>, vector<1024x27x27xf32> -> vector<1024x27x27xf32>
    %reshape3A_40 = vector.shape_cast %dot_general3A_39 : vector<1024x27x27xf32> to vector<1024x729xf32>
    %get3A_41 = arith.constant 0 : index
    %get3A_42 = arith.constant 0 : index
    %get3A_43 = vector.load %arg9[%get3A_41, %get3A_42] : memref<729x512xf32, #tpu.memory_space<vmem>>, vector<729x512xf32>
    %dot_general3A_44 = arith.constant dense<0.000000e+00> : vector<1024x512xf32>
    %dot_general3A_45 = tpu.matmul %reshape3A_40, %get3A_43, %dot_general3A_44 {dimension_numbers = #tpu.dot_dimension_numbers<[1], [0], [0], [1], [0, 0, 1, 1], [], []>, transpose_lhs_hint = false} : vector<1024x729xf32>, vector<729x512xf32>, vector<1024x512xf32> -> vector<1024x512xf32>
    %get3A_46 = arith.constant 0 : index
    %get3A_47 = arith.constant 0 : index
    %get3A_48 = vector.load %arg10[%get3A_46, %get3A_47] : memref<32x512xf32, #tpu.memory_space<vmem>>, vector<32x512xf32>
    %dot_general3A_49 = arith.constant dense<0.000000e+00> : vector<1024x512xf32>
    %dot_general3A_50 = tpu.matmul %add3A_34, %get3A_48, %dot_general3A_49 {dimension_numbers = #tpu.dot_dimension_numbers<[1], [0], [0], [1], [0, 0, 1, 1], [], []>, transpose_lhs_hint = false} : vector<1024x32xf32>, vector<32x512xf32>, vector<1024x512xf32> -> vector<1024x512xf32>
    %add3A_51 = arith.addf %dot_general3A_45, %dot_general3A_50 : vector<1024x512xf32>
    %get3A_52 = arith.constant 0 : index
    %get3A_53 = arith.constant 0 : index
    %get3A_54 = vector.load %arg11[%get3A_52, %get3A_53] : memref<1x512xf32, #tpu.memory_space<vmem>>, vector<1x512xf32>
    %add3A_55 = vector.broadcast %get3A_54 : vector<1x512xf32> to vector<1024x512xf32>
    %add3A_56 = arith.addf %add3A_51, %add3A_55 : vector<1024x512xf32>
    %max3A_57 = arith.constant 0.000000e+00 : f32
    %max3A_58 = vector.broadcast %max3A_57 : f32 to vector<1024x512xf32>
    %max3A_59 = arith.maximumf %add3A_56, %max3A_58 : vector<1024x512xf32>
    %get3A_60 = arith.constant 0 : index
    %get3A_61 = arith.constant 0 : index
    %get3A_62 = vector.load %arg12[%get3A_60, %get3A_61] : memref<512x256xf32, #tpu.memory_space<vmem>>, vector<512x256xf32>
    %dot_general3A_63 = arith.constant dense<0.000000e+00> : vector<1024x256xf32>
    %dot_general3A_64 = tpu.matmul %max3A_59, %get3A_62, %dot_general3A_63 {dimension_numbers = #tpu.dot_dimension_numbers<[1], [0], [0], [1], [0, 0, 1, 1], [], []>, transpose_lhs_hint = false} : vector<1024x512xf32>, vector<512x256xf32>, vector<1024x256xf32> -> vector<1024x256xf32>
    %get3A_65 = arith.constant 0 : index
    %get3A_66 = arith.constant 0 : index
    %get3A_67 = vector.load %arg13[%get3A_65, %get3A_66] : memref<1x256xf32, #tpu.memory_space<vmem>>, vector<1x256xf32>
    %add3A_68 = vector.broadcast %get3A_67 : vector<1x256xf32> to vector<1024x256xf32>
    %add3A_69 = arith.addf %dot_general3A_64, %add3A_68 : vector<1024x256xf32>
    %max3A_70 = arith.constant 0.000000e+00 : f32
    %max3A_71 = vector.broadcast %max3A_70 : f32 to vector<1024x256xf32>
    %max3A_72 = arith.maximumf %add3A_69, %max3A_71 : vector<1024x256xf32>
    %get3A_73 = arith.constant 0 : index
    %get3A_74 = arith.constant 0 : index
    %get3A_75 = vector.load %arg14[%get3A_73, %get3A_74] : memref<256x1xf32, #tpu.memory_space<vmem>>, vector<256x1xf32>
    %dot_general3A_76 = arith.constant dense<0.000000e+00> : vector<1024x1xf32>
    %dot_general3A_77 = tpu.matmul %max3A_72, %get3A_75, %dot_general3A_76 {dimension_numbers = #tpu.dot_dimension_numbers<[1], [0], [0], [1], [0, 0, 1, 1], [], []>, transpose_lhs_hint = false} : vector<1024x256xf32>, vector<256x1xf32>, vector<1024x1xf32> -> vector<1024x1xf32>
    %get3A_78 = arith.constant 0 : index
    %get3A_79 = arith.constant 0 : index
    %get3A_80 = vector.load %arg15[%get3A_78, %get3A_79] : memref<1x1xf32, #tpu.memory_space<vmem>>, vector<1x1xf32>
    %add3A_81 = vector.broadcast %get3A_80 : vector<1x1xf32> to vector<1024x1xf32>
    %add3A_82 = arith.addf %dot_general3A_77, %add3A_81 : vector<1024x1xf32>
    %swap3A = arith.constant 0 : index
    %swap3A_83 = arith.constant 0 : index
    %swap3A_84 = vector.load %arg16[%swap3A, %swap3A_83] : memref<1024x1xf32, #tpu.memory_space<vmem>>, vector<1024x1xf32>
    tpu.vector_store %arg16[%swap3A, %swap3A_83], %add3A_82 {strides = array<i32>} : memref<1024x1xf32, #tpu.memory_space<vmem>>, vector<1024x1xf32>,
    return
  }
  func.func @transform_0(%arg0: i32) -> (i32, i32) {
    %c0_i32 = arith.constant 0 : i32
    %c0_i32_0 = arith.constant 0 : i32
    return %arg0, %c0_i32 : i32, i32
  }
  func.func @transform_1(%arg0: i32) -> (i32, i32) {
    %c0_i32 = arith.constant 0 : i32
    %c0_i32_0 = arith.constant 0 : i32
    return %arg0, %c0_i32 : i32, i32
  }
  func.func @transform_2(%arg0: i32) -> (i32, i32) {
    %c0_i32 = arith.constant 0 : i32
    %c0_i32_0 = arith.constant 0 : i32
    %c0_i32_1 = arith.constant 0 : i32
    return %c0_i32, %c0_i32_0 : i32, i32
  }
  func.func @transform_3(%arg0: i32) -> (i32, i32) {
    %c0_i32 = arith.constant 0 : i32
    %c0_i32_0 = arith.constant 0 : i32
    %c0_i32_1 = arith.constant 0 : i32
    return %c0_i32, %c0_i32_0 : i32, i32
  }
  func.func @transform_4(%arg0: i32) -> (i32, i32) {
    %c0_i32 = arith.constant 0 : i32
    %c0_i32_0 = arith.constant 0 : i32
    %c0_i32_1 = arith.constant 0 : i32
    return %c0_i32, %c0_i32_0 : i32, i32
  }
  func.func @transform_5(%arg0: i32) -> (i32, i32) {
    %c0_i32 = arith.constant 0 : i32
    %c0_i32_0 = arith.constant 0 : i32
    %c0_i32_1 = arith.constant 0 : i32
    return %c0_i32, %c0_i32_0 : i32, i32
  }
  func.func @transform_6(%arg0: i32) -> (i32, i32) {
    %c0_i32 = arith.constant 0 : i32
    %c0_i32_0 = arith.constant 0 : i32
    %c0_i32_1 = arith.constant 0 : i32
    return %c0_i32, %c0_i32_0 : i32, i32
  }
  func.func @transform_7(%arg0: i32) -> (i32, i32) {
    %c0_i32 = arith.constant 0 : i32
    %c0_i32_0 = arith.constant 0 : i32
    %c0_i32_1 = arith.constant 0 : i32
    return %c0_i32, %c0_i32_0 : i32, i32
  }
  func.func @transform_8(%arg0: i32) -> (i32, i32) {
    %c0_i32 = arith.constant 0 : i32
    %c0_i32_0 = arith.constant 0 : i32
    %c0_i32_1 = arith.constant 0 : i32
    return %c0_i32, %c0_i32_0 : i32, i32
  }
  func.func @transform_9(%arg0: i32) -> (i32, i32) {
    %c0_i32 = arith.constant 0 : i32
    %c0_i32_0 = arith.constant 0 : i32
    %c0_i32_1 = arith.constant 0 : i32
    return %c0_i32, %c0_i32_0 : i32, i32
  }
  func.func @transform_10(%arg0: i32) -> (i32, i32) {
    %c0_i32 = arith.constant 0 : i32
    %c0_i32_0 = arith.constant 0 : i32
    %c0_i32_1 = arith.constant 0 : i32
    return %c0_i32, %c0_i32_0 : i32, i32
  }
  func.func @transform_11(%arg0: i32) -> (i32, i32) {
    %c0_i32 = arith.constant 0 : i32
    %c0_i32_0 = arith.constant 0 : i32
    %c0_i32_1 = arith.constant 0 : i32
    return %c0_i32, %c0_i32_0 : i32, i32
  }
  func.func @transform_12(%arg0: i32) -> (i32, i32) {
    %c0_i32 = arith.constant 0 : i32
    %c0_i32_0 = arith.constant 0 : i32
    %c0_i32_1 = arith.constant 0 : i32
    return %c0_i32, %c0_i32_0 : i32, i32
  }
  func.func @transform_13(%arg0: i32) -> (i32, i32) {
    %c0_i32 = arith.constant 0 : i32
    %c0_i32_0 = arith.constant 0 : i32
    %c0_i32_1 = arith.constant 0 : i32
    return %c0_i32, %c0_i32_0 : i32, i32
  }
  func.func @transform_14(%arg0: i32) -> (i32, i32) {
    %c0_i32 = arith.constant 0 : i32
    %c0_i32_0 = arith.constant 0 : i32
    %c0_i32_1 = arith.constant 0 : i32
    return %c0_i32, %c0_i32_0 : i32, i32
  }
  func.func @transform_15(%arg0: i32) -> (i32, i32) {
    %c0_i32 = arith.constant 0 : i32
    %c0_i32_0 = arith.constant 0 : i32
    return %arg0, %c0_i32 : i32, i32
  }
}

</mosaic_0001>

<sc_bundles>
// kernel: kernel.5.cloned.1.call-start
scs
__scs_entry_jumppad:
0x0: {  	(pc) =	sbr.rel $0x88, $3  }
0x1: {  	(tag) =	ssettag $0x0;
	lr =	simm.s32 $0x1  }
0x2: {  	[smem:$0x3F92] =	sst lr;
	_ =	strace $0xD0000000  }
0x3: {  	_ = 	snop  }
0x4: {  	_ = 	snop  }
0x5: {  	_ = 	snop  }
0x6: {  	_ = 	snop  }
0x7: {  	_ = 	snop  }
__scs_overlays_trampoline_lowered:
0x8: {  	[smem:$0x3FA1] =	sst s0  }
0x9: {  	[smem:$0x3FA2] =	sst s1  }
0xa: {  	[smem:$0x3FA3] =	sst s2  }
0xb: {  	[smem:$0x3FA4] =	sst s3  }
0xc: {  	[smem:$0x3FA5] =	sst s4  }
0xd: {  	[smem:$0x3FA6] =	sst s5  }
0xe: {  	[smem:$0x3FA7] =	sst s6  }
0xf: {  	[smem:$0x3FA8] =	sst s7  }
0x10: {  	[smem:$0x3FA9] =	sst s8  }
0x11: {  	[smem:$0x3FAA] =	sst s9;
	s0 =	simm.s32 @!p0 $0x0  }
0x12: {  	s1 =	sld [smem:$0x3F90];
	s0 =	simm.s32 @p0 $0x1  }
0x13: {  	[smem:$0x3FAB] =	sst s0;
	s0 =	simm.s32 @!p1 $0x0  }
0x14: {  	s2 =	sld [smem:$0x3F8F];
	s0 =	simm.s32 @p1 $0x1  }
0x15: {  	[smem:$0x3FAC] =	sst s0;
	s0 =	simm.s32 @!p2 $0x0  }
0x16: {  	s3 =	sld [smem:$0x3FDB];
	s0 =	simm.s32 @p2 $0x1  }
0x17: {  	s4 =	simm.s32 $0x1BF5;
	[smem:$0x3FAE] =	sst s0  }
0x18: {  	s0 =	sld [smem:$0x3F91];
	_ =	swait.ge [sflag:s4], $0x0  }
0x19: {  	s7 =	sld [smem:$0x3F92]  }
0x1a: {  	s8 =	sadd.s32 $0xFFFFE003, lr  }
0x1b: {  	s9 =	sadd.s32 $0xFFFFFEF7, lr;
	s5 =	simm.s32 $0xFFFFFFFF;
	p2 =	slt.u32 s8, $0xFFFFF086  }
0x1c: {  	p1 =	slt.u32 s9, $0xF7A;
	s5 =	simm.s32 @!p2 $0x0  }
0x1d: {  	s5 =	simm.s32 @p1 $0x1;
	p0 =	seq.s32 s7, s2  }
0x1e: {  	s7 =	smul.u32 @!p0 $0xF7A, s2;
	p2 =	seq.s32 @!p0 s5, $0x0  }
0x1f: {  	s9 =	smul.u32 $0xF7A, s1;
	s8 =	simm.s32 @!p0 $0x1BF5;
	p2 =	por !p2, p0  }
0x20: {  	[sflag:s8] =	ssyncset.s32 @!p0 $0xFFFFF086;
	s6 =	sadd.s32 @!p0 s3, s7;
	s7 =	simm.s32 @!p0 $0x108  }
0x21: {  	s3 =	sadd.s32 s3, s9;
	s6 =	sadd.s32 @!p0 $0x88, s6;
	s7 =	simm.s32 @p2 $0x1082  }
0x22: {  	[simem:s7], [sflag:s8] =	dma.local @!p0 [hbm:s6], $0xF7A  }
0x23: {  	s9 =	sor.u32 $0xD0000000, s2;
	s6 =	simm.s32 $0x108;
	_ =	swait.ge @!p0 [sflag:s8], $0x0  }
0x24: {  	s3 =	sadd.s32 $0x88, s3;
	s6 =	simm.s32 @!p1 $0x1082;
	[sflag:s4] =	ssyncset.s32 $0xFFFFF086  }
0x25: {  	[simem:s6], [sflag:s4] =	dma.local [hbm:s3], $0xF7A  }
0x26: {  	[smem:$0x3F92] =	sst s1;
	(tag) =	ssettag s2;
	_ =	strace s9  }
0x27: {  	s1 =	sld [smem:$0x3FA2]  }
0x28: {  	s2 =	sld [smem:$0x3FA3]  }
0x29: {  	s4 =	sld [smem:$0x3FA5]  }
0x2a: {  	p0 =	seq.s32 s5, $0x0;
	s5 =	sld [smem:$0x3FA6]  }
0x2b: {  	s6 =	sld [smem:$0x3FA7]  }
0x2c: {  	s7 =	sld [smem:$0x3FA8]  }
0x2d: {  	s3 =	simm.s32 $0x108;
	s8 =	sld [smem:$0x3FA9]  }
0x2e: {  	s3 =	simm.s32 @!p0 $0x1082;
	s9 =	sld [smem:$0x3FAA]  }
0x2f: {  	lr =	sadd.s32 s0, s3;
	s0 =	sld [smem:$0x3FA1]  }
0x30: {  	s3 =	sld [smem:$0x3FA4]  }
0x31: {  	[smem:$0x3FAD] =	sst s10  }
0x32: {  	s10 =	sld [smem:$0x3FAB];
	_ =	sdelay $0x3  }
0x33: {  	p0 =	seq.s32 s10, $0x1;
	s10 =	sld [smem:$0x3FAD];
	_ =	sdelay $0x3  }
0x34: {  	[smem:$0x3FAD] =	sst s10  }
0x35: {  	s10 =	sld [smem:$0x3FAC];
	_ =	sdelay $0x3  }
0x36: {  	p1 =	seq.s32 s10, $0x1;
	s10 =	sld [smem:$0x3FAD];
	_ =	sdelay $0x3  }
0x37: {  	[smem:$0x3FAD] =	sst s10  }
0x38: {  	s10 =	sld [smem:$0x3FAE]  }
0x39: {  	_ = 	snop;
	(pc) =	sbr.ind lr, $3  }
0x3a: {  	_ = 	snop  }
0x3b: {  	_ = 	snop  }
0x3c: {  	p2 =	seq.s32 s10, $0x1;
	s10 =	sld [smem:$0x3FAD]  }
0x3d: {  	_ =	shalt  }
0x3e: {  	_ =	shalt  }
0x3f: {  	_ =	shalt  }
0x40: {  	_ =	shalt  }
0x41: {  	_ =	shalt  }
0x42: {  	_ =	shalt  }
0x43: {  	_ =	shalt  }
0x44: {  	_ =	shalt  }
0x45: {  	_ =	shalt  }
0x46: {  	_ =	shalt  }
0x47: {  	_ =	shalt  }
0x48: {  	_ =	shalt  }
0x49: {  	_ =	shalt  }
0x4a: {  	_ =	shalt  }
0x4b: {  	_ =	shalt  }
0x4c: {  	_ =	shalt  }
0x4d: {  	_ =	shalt  }
0x4e: {  	_ =	shalt  }
0x4f: {  	_ =	shalt  }
0x50: {  	_ =	shalt  }
0x51: {  	_ =	shalt  }
0x52: {  	_ =	shalt  }
0x53: {  	_ =	shalt  }
0x54: {  	_ =	shalt  }
0x55: {  	_ =	shalt  }
0x56: {  	_ =	shalt  }
0x57: {  	_ =	shalt  }
0x58: {  	_ =	shalt  }
0x59: {  	_ =	shalt  }
0x5a: {  	_ =	shalt  }
0x5b: {  	_ =	shalt  }
0x5c: {  	_ =	shalt  }
0x5d: {  	_ =	shalt  }
0x5e: {  	_ =	shalt  }
0x5f: {  	_ =	shalt  }
0x60: {  	_ =	shalt  }
0x61: {  	_ =	shalt  }
0x62: {  	_ =	shalt  }
0x63: {  	_ =	shalt  }
0x64: {  	_ =	shalt  }
0x65: {  	_ =	shalt  }
0x66: {  	_ =	shalt  }
0x67: {  	_ =	shalt  }
0x68: {  	_ =	shalt  }
0x69: {  	_ =	shalt  }
0x6a: {  	_ =	shalt  }
0x6b: {  	_ =	shalt  }
0x6c: {  	_ =	shalt  }
0x6d: {  	_ =	shalt  }
0x6e: {  	_ =	shalt  }
0x6f: {  	_ =	shalt  }
0x70: {  	_ =	shalt  }
0x71: {  	_ =	shalt  }
0x72: {  	_ =	shalt  }
0x73: {  	_ =	shalt  }
0x74: {  	_ =	shalt  }
0x75: {  	_ =	shalt  }
0x76: {  	_ =	shalt  }
0x77: {  	_ =	shalt  }
0x78: {  	_ =	shalt  }
0x79: {  	_ =	shalt  }
0x7a: {  	_ =	shalt  }
0x7b: {  	_ =	shalt  }
0x7c: {  	_ =	shalt  }
0x7d: {  	_ =	shalt  }
0x7e: {  	_ =	shalt  }
0x7f: {  	_ =	shalt  }
0x80: {  	_ =	shalt  }
0x81: {  	_ =	shalt  }
0x82: {  	_ =	shalt  }
0x83: {  	_ =	shalt  }
0x84: {  	_ =	shalt  }
0x85: {  	_ =	shalt  }
0x86: {  	_ =	shalt  }
0x87: {  	_ =	shalt  }
.Lfunc_end0:
.L_simem_size_0:
called_computation_lowered:
.L_overlay_start_0:
0x88: {  	s2 =	sld [smem:$0x3FD9]  }
0x89: {  	s3 =	sld [smem:$0x3FFE];
	_ =	sdelay $0x1  }
0x8a: {  	s1 =	srdreg.scid  }
0x8b: {  	s0 =	sand.u32 $0x1, s1  }
0x8c: {  	s16 =	sshll.u32 s0, $0xA;
	s2 =	sadd.s32 s3, s2  }
0x8d: {  	s2 =	sadd.s32 s2, s16  }
0x8e: {  	[smem:$0x3FB9] =	sst s2  }
0x8f: {  	_ = 	snop  }
0x90: {  	(tm) =	ssettm $0x1  }
0x91: {  	s17 =	sld [smem:$0x3FFB];
	_ =	sdelay $0x3  }
0x92: {  	_ =	strace s17  }
0x93: {  	s2 =	sld [smem:$0x3FFC];
	_ =	sdelay $0x3  }
0x94: {  	_ =	strace s2  }
0x95: {  	s2 =	sld [smem:$0x3FFD];
	_ =	sdelay $0x3  }
0x96: {  	_ =	strace s2  }
0x97: {  	_ =	strace $0x8FFFFFFF  }
0x98: {  	s18 =	sld [smem:$0x3FDB];
	_ =	sdelay $0x1  }
0x99: {  	s19 =	simm.s32 $_scs_section_size  }
0x9a: {  	s4 =	simm.s32 $_size__tile_overlayer_lowered;
	s5 =	simm.s32 $_tile_overlayer_lowered  }
0x9b: {  	s22 =	simm.s32 $0x1BFF;
	s21 =	sshll.u32 s5, $0x1;
	s2 =	sadd.s32 s19, s18  }
0x9c: {  	s6 =	simm.s32 $0x0;
	s20 =	sshll.u32 s4, $0x1;
	s4 =	sadd.s32 s21, s2  }
0x9d: {  	[timem:s6], [sflag:s22] =	dma.local [hbm:s4], s20  }
0x9e: {  	_ =	swait.ge [sflag:s22], s20  }
0x9f: {  	s3 =	ssub.s32 $0x0, s20;
	[sflag:s22] =	ssyncset.done $0x0  }
0xa0: {  	[sflag:s22] =	ssyncadd.s32 s3;
	_ =	sdelay $0x1  }
0xa1: {  	s23 =	simm.s32 $0x1B8B  }
0xa2: {  	_ =	swait.ge [sflag:s23], $0x1  }
0xa3: {  	[sflag:s23] =	ssyncset.done $0x0  }
0xa4: {  	s25 =	simm.s32 $0x1B8E;
	s24 =	sld [smem:$0x3FFE];
	[sflag:s23] =	ssyncadd.s32 $0xFFFFFFFF  }
0xa5: {  	s26 =	simm.s32 $execute0_lowered;
	[smem:$0x3FD2] =	sst s25  }
0xa6: {  	s4 =	sshll.u32 s26, $0x1;
	_ =	strace $0x80000046;
	[dreg:$0x1] =	wrdreg $0xFFFFFFFF  }
0xa7: {  	s28 =	simm.s32 $_size_execute0_lowered;
	s2 =	sadd.s32 s2, s4;
	[dreg:$0x0] =	wrdreg $0x0  }
0xa8: {  	s4 =	sshll.u32 s28, $0x1;
	[dreg:$0x2] =	wrdreg s2  }
0xa9: {  	[dreg:$0x3] =	wrdreg s4  }
0xaa: {  	[dreg:$0x4] =	wrdreg $0xC0  }
0xab: {  	_ =	task [dreg:s6], $0x5FFFF  }
0xac: {  	[dreg:$0x1] =	wrdreg $0xFFFFFFFF  }
0xad: {  	[dreg:$0x0] =	wrdreg $0x60  }
0xae: {  	[dreg:$0x2] =	wrdreg s24  }
0xaf: {  	[dreg:$0x3] =	wrdreg $0x9  }
0xb0: {  	_ =	task.clear_ibuf [dreg:s6], $0x4FFFF;
	_ =	strace $0x90000046  }
0xb1: {  	s29 =	simm.s32 $0x9;
	_ =	strace $0x80000048  }
0xb2: {  	_ =	swait.ge [sflag:s29], $0x1  }
0xb3: {  	[sflag:s29] =	ssyncadd.s32 $0xFFFFFFFF  }
0xb4: {  	_ =	strace $0x90000048  }
0xb5: {  	_ =	sfence  }
0xb6: {  	s30 =	sld [smem:$0x0];
	_ =	sdelay $0x2  }
0xb7: {  	s31 =	sshll.u32 s1, $0xD;
	s1 =	sshrl.u32 s1, $0x2  }
0xb8: {  	s3 =	sand.u32 $0x4000, s31;
	s1 =	sadd.s32 s1, s30  }
0xb9: {  	s0 =	sor.u32 s3, s0;
	s1 =	sshll.u32 s1, $0x11  }
0xba: {  	s0 =	sor.u32 s1, s0  }
0xbb: {  	s0 =	sadd.s32 $0x8F2B, s0  }
0xbc: {  	[sflag:s0] =	ssyncadd.remote.s32 $0x1  }
0xbd: {  	_ =	sfence.sel $0xFFFF  }
0xbe: {  	[dreg:$0x0] =	wrdreg $0xFFFFFFFF;
	(pc) =	sbr.abs _section_cstart, $3  }
0xbf: {  	[dreg:$0x1] =	wrdreg $0xFFFFFFFF  }
0xc0: {  	_ =	task.clear_ibuf [dreg:s6], $0x2FFFF;
	_ =	strace $0x9FFFFFFF  }
0xc1: {  	(tm) =	ssettm $0x7FFFFFFF  }
tec
execute0_lowered:
.L_overlay_start_1:
0x0: {  	(tag) =	ssettag $0x1  }
0x1: {  	s1 =	srdreg.scid;
	s5 =	rddreg [dreg:$0x0]  }
0x2: {  	s2 =	simm.s32 $0x0;
	s4 =	sand.u32 $0x1, s1;
	s1 =	rddreg [dreg:$0x1]  }
0x3: {  	s10 =	simm.s32 $0x8400;
	[smem:$0x7FF] =	sst s2  }
0x4: {  	s11 =	simm.s32 $0x9400;
	_ =	strace $0x80000047;
	[dreg:$0x8] =	wrdreg s10  }
0x5: {  	s12 =	simm.s32 $0xA400;
	[dreg:$0x9] =	wrdreg s11  }
0x6: {  	s13 =	simm.s32 $0xB400;
	[dreg:$0xa] =	wrdreg s12  }
0x7: {  	s14 =	simm.s32 $0xC400;
	[dreg:$0xb] =	wrdreg s13  }
0x8: {  	s15 =	simm.s32 $0xD400;
	[dreg:$0xc] =	wrdreg s14  }
0x9: {  	s16 =	simm.s32 $0xE400;
	[dreg:$0xd] =	wrdreg s15  }
0xa: {  	s18 =	simm.s32 $0xF400;
	[dreg:$0xe] =	wrdreg s16  }
0xb: {  	s19 =	simm.s32 $0x11400;
	[dreg:$0xf] =	wrdreg s18  }
0xc: {  	s20 =	simm.s32 $0x12400;
	[dreg:$0x10] =	wrdreg s19  }
0xd: {  	s21 =	simm.s32 $0x13400;
	[dreg:$0x11] =	wrdreg s20  }
0xe: {  	s22 =	simm.s32 $0x14400;
	[dreg:$0x12] =	wrdreg s21  }
0xf: {  	s0 =	stileid.u32;
	s23 =	simm.s32 $0x15400;
	[dreg:$0x13] =	wrdreg s22  }
0x10: {  	s24 =	simm.s32 $0x16400;
	s26 =	simm.s32 $0x17400;
	[dreg:$0x14] =	wrdreg s23  }
0x11: {  	s28 =	simm.s32 $0x18400;
	s29 =	simm.s32 $0x19400;
	[dreg:$0x15] =	wrdreg s24  }
0x12: {  	s30 =	simm.s32 $0x1A400;
	s3 =	smul.u32 $0x6800, s0;
	[dreg:$0x16] =	wrdreg s26  }
0x13: {  	s7 =	smul.u32 $0x1A000, s0;
	s8 =	sadd.s32 $0x9F9A00, s5;
	[dreg:$0x17] =	wrdreg s28  }
0x14: {  	s17 =	sshll.u32 s0, $0x1;
	s6 =	smul.u32 $0x3400, s4;
	[dreg:$0x18] =	wrdreg s29  }
0x15: {  	s9 =	smul.u32 $0xD000, s4;
	[dreg:$0x19] =	wrdreg s30;
	s10 =	simm.s32 $0x1C400  }
0x16: {  	s11 =	simm.s32 $0x2;
	s12 =	simm.s32 $0x0;
	s31 =	sadd.s32 s7, s8  }
0x17: {  	s7 =	simm.s32 $0x5400;
	[dreg:$0x1b] =	wrdreg s10;
	s10 =	simm.s32 $0x1  }
0x18: {  	s3 =	sadd.s32 s6, s3;
	s6 =	sadd.s32 s9, s31;
	[dreg:$0x5] =	wrdreg s7  }
0x19: {  	s9 =	simm.s32 $0x7400;
	s31 =	simm.s32 $0x1B400;
	[dreg:$0x2] =	wrdreg s6  }
0x1a: {  	s3 =	sshll.u32 s3, $0x2;
	s6 =	simm.s32 $0x4400;
	[dreg:$0x7] =	wrdreg s9  }
0x1b: {  	[dreg:$0x1a] =	wrdreg s31;
	s9 =	simm.s32 $0x10400;
	s3 =	sadd.s32 s8, s3  }
0x1c: {  	[dreg:$0x4] =	wrdreg s6;
	s8 =	simm.s32 $0x6400;
	s6 =	sor.u32 s4, s17  }
0x1d: {  	s4 =	ssub.s32 $0x2, s4;
	s3 =	sadd.s32 $0x1A00, s3;
	s6 =	smul.u32 $0x3400, s6  }
0x1e: {  	[dreg:$0x6] =	wrdreg s8;
	s25 =	sshrl.u32 s4, $0x1;
	s8 =	simm.s32 $0x3400  }
0x1f: {  	[dreg:$0x3] =	wrdreg s3;
	s3 =	sadd.s32 $0x1800, s5;
	s6 =	sshrl.u32 s6, $0x3  }
0x20: {  	s7 =	ssub.s32 s4, s25;
	s5 =	sadd.s32 s6, s5;
	s6 =	simm.s32 $0x3  }
0x21: {  	s4 =	sadd.s32 $0x9ECA00, s5;
	s5 =	smax.u32 s7, $0x1;
	s7 =	simm.s32 $0x80  }
.LBB2_1:
0x22: {  	[tilespmem:s2], [sflag:$0x3] =	stream.linear.gather [hbm4b:s4+s2], $0x3400, $0x38;
	[tilespmem:$0x1D400] =	vst v63  }
0x23: {  	_ =	swait.ge [sflag:s6], $0x3400  }
0x24: {  	[sflag:s6] =	ssyncset.done $0x0  }
0x25: {  	s13 =	simm.s32 $0x0;
	[sflag:s6] =	ssyncadd.s32 $0xFFFFCC00  }
0x26: {  	[tilespmem:s8], [sflag:$0x1] =	stream.indirect.gather [hbm4b:s3+s7], $0x20, s13, s7, $0xb8;
	[tilespmem:$0x1D400] =	vst v63  }
0x27: {  	s29 =	simm.s32 $0x80;
	s14 =	rddreg [dreg:$0x4]  }
0x28: {  	[tilespmem:s14], [sflag:$0x1] =	stream.indirect.gather [hbm4b:s3+s7], $0x20, s29, s7, $0xb8;
	[tilespmem:$0x1D400] =	vst v63  }
0x29: {  	s31 =	simm.s32 $0x100;
	s15 =	rddreg [dreg:$0x5]  }
0x2a: {  	[tilespmem:s15], [sflag:$0x1] =	stream.indirect.gather [hbm4b:s3+s7], $0x20, s31, s7, $0xb8;
	[tilespmem:$0x1D400] =	vst v63  }
0x2b: {  	s30 =	rddreg [dreg:$0x6];
	s15 =	simm.s32 $0x180  }
0x2c: {  	[tilespmem:s30], [sflag:$0x1] =	stream.indirect.gather [hbm4b:s3+s7], $0x20, s15, s7, $0xb8;
	[tilespmem:$0x1D400] =	vst v63  }
0x2d: {  	s18 =	simm.s32 $0x200;
	s16 =	rddreg [dreg:$0x7]  }
0x2e: {  	[tilespmem:s16], [sflag:$0x1] =	stream.indirect.gather [hbm4b:s3+s7], $0x20, s18, s7, $0xb8;
	[tilespmem:$0x1D400] =	vst v63  }
0x2f: {  	s19 =	simm.s32 $0x280;
	s17 =	rddreg [dreg:$0x8]  }
0x30: {  	[tilespmem:s17], [sflag:$0x1] =	stream.indirect.gather [hbm4b:s3+s7], $0x20, s19, s7, $0xb8;
	[tilespmem:$0x1D400] =	vst v63  }
0x31: {  	s21 =	simm.s32 $0x300;
	s20 =	rddreg [dreg:$0x9]  }
0x32: {  	[tilespmem:s20], [sflag:$0x1] =	stream.indirect.gather [hbm4b:s3+s7], $0x20, s21, s7, $0xb8;
	[tilespmem:$0x1D400] =	vst v63  }
0x33: {  	s23 =	simm.s32 $0x380;
	s22 =	rddreg [dreg:$0xa]  }
0x34: {  	[tilespmem:s22], [sflag:$0x1] =	stream.indirect.gather [hbm4b:s3+s7], $0x20, s23, s7, $0xb8;
	[tilespmem:$0x1D400] =	vst v63  }
0x35: {  	s25 =	simm.s32 $0x400;
	s24 =	rddreg [dreg:$0xb]  }
0x36: {  	[tilespmem:s24], [sflag:$0x1] =	stream.indirect.gather [hbm4b:s3+s7], $0x20, s25, s7, $0xb8;
	[tilespmem:$0x1D400] =	vst v63  }
0x37: {  	s28 =	simm.s32 $0x480;
	s26 =	rddreg [dreg:$0xc]  }
0x38: {  	[tilespmem:s26], [sflag:$0x1] =	stream.indirect.gather [hbm4b:s3+s7], $0x20, s28, s7, $0xb8;
	[tilespmem:$0x1D400] =	vst v63  }
0x39: {  	s29 =	rddreg [dreg:$0xd];
	s31 =	simm.s32 $0x500  }
0x3a: {  	[tilespmem:s29], [sflag:$0x1] =	stream.indirect.gather [hbm4b:s3+s7], $0x20, s31, s7, $0xb8;
	[tilespmem:$0x1D400] =	vst v63  }
0x3b: {  	s30 =	rddreg [dreg:$0xe];
	s16 =	simm.s32 $0x580  }
0x3c: {  	[tilespmem:s30], [sflag:$0x1] =	stream.indirect.gather [hbm4b:s3+s7], $0x20, s16, s7, $0xb8;
	[tilespmem:$0x1D400] =	vst v63  }
0x3d: {  	s18 =	simm.s32 $0x600;
	s17 =	rddreg [dreg:$0xf]  }
0x3e: {  	[tilespmem:s17], [sflag:$0x1] =	stream.indirect.gather [hbm4b:s3+s7], $0x20, s18, s7, $0xb8;
	[tilespmem:$0x1D400] =	vst v63  }
0x3f: {  	s19 =	simm.s32 $0x680  }
0x40: {  	[tilespmem:s9], [sflag:$0x2] =	stream.indirect.gather [hbm4b:s3+s7], $0x20, s19, s7, $0xb8;
	[tilespmem:$0x1D400] =	vst v63  }
0x41: {  	s20 =	rddreg [dreg:$0x10];
	s21 =	simm.s32 $0x700  }
0x42: {  	[tilespmem:s20], [sflag:$0x2] =	stream.indirect.gather [hbm4b:s3+s7], $0x20, s21, s7, $0xb8;
	[tilespmem:$0x1D400] =	vst v63  }
0x43: {  	s22 =	rddreg [dreg:$0x11];
	s23 =	simm.s32 $0x780  }
0x44: {  	[tilespmem:s22], [sflag:$0x2] =	stream.indirect.gather [hbm4b:s3+s7], $0x20, s23, s7, $0xb8;
	[tilespmem:$0x1D400] =	vst v63  }
0x45: {  	s24 =	rddreg [dreg:$0x12];
	s25 =	simm.s32 $0x800  }
0x46: {  	[tilespmem:s24], [sflag:$0x2] =	stream.indirect.gather [hbm4b:s3+s7], $0x20, s25, s7, $0xb8;
	[tilespmem:$0x1D400] =	vst v63  }
0x47: {  	s26 =	rddreg [dreg:$0x13];
	s28 =	simm.s32 $0x880  }
0x48: {  	[tilespmem:s26], [sflag:$0x2] =	stream.indirect.gather [hbm4b:s3+s7], $0x20, s28, s7, $0xb8;
	[tilespmem:$0x1D400] =	vst v63  }
0x49: {  	s29 =	rddreg [dreg:$0x14];
	s30 =	simm.s32 $0x900  }
0x4a: {  	[tilespmem:s29], [sflag:$0x2] =	stream.indirect.gather [hbm4b:s3+s7], $0x20, s30, s7, $0xb8;
	[tilespmem:$0x1D400] =	vst v63  }
0x4b: {  	s31 =	rddreg [dreg:$0x15];
	s16 =	simm.s32 $0x980  }
0x4c: {  	[tilespmem:s31], [sflag:$0x2] =	stream.indirect.gather [hbm4b:s3+s7], $0x20, s16, s7, $0xb8;
	[tilespmem:$0x1D400] =	vst v63  }
0x4d: {  	s17 =	rddreg [dreg:$0x16];
	s19 =	simm.s32 $0xA00  }
0x4e: {  	[tilespmem:s17], [sflag:$0x2] =	stream.indirect.gather [hbm4b:s3+s7], $0x20, s19, s7, $0xb8;
	[tilespmem:$0x1D400] =	vst v63  }
0x4f: {  	s18 =	rddreg [dreg:$0x17];
	s20 =	simm.s32 $0xA80  }
0x50: {  	[tilespmem:s18], [sflag:$0x2] =	stream.indirect.gather [hbm4b:s3+s7], $0x20, s20, s7, $0xb8;
	[tilespmem:$0x1D400] =	vst v63  }
0x51: {  	s21 =	rddreg [dreg:$0x18];
	s22 =	simm.s32 $0xB00  }
0x52: {  	[tilespmem:s21], [sflag:$0x2] =	stream.indirect.gather [hbm4b:s3+s7], $0x20, s22, s7, $0xb8;
	[tilespmem:$0x1D400] =	vst v63  }
0x53: {  	s23 =	rddreg [dreg:$0x19];
	s25 =	simm.s32 $0xB80  }
0x54: {  	[tilespmem:s23], [sflag:$0x2] =	stream.indirect.gather [hbm4b:s3+s7], $0x20, s25, s7, $0xb8;
	[tilespmem:$0x1D400] =	vst v63  }
0x55: {  	s24 =	rddreg [dreg:$0x1a];
	s26 =	simm.s32 $0xC00  }
0x56: {  	[tilespmem:s24], [sflag:$0x2] =	stream.indirect.gather [hbm4b:s3+s7], $0x20, s26, s7, $0xb8;
	[tilespmem:$0x1D400] =	vst v63  }
0x57: {  	s28 =	rddreg [dreg:$0x1b];
	s29 =	simm.s32 $0xC80  }
0x58: {  	[tilespmem:s28], [sflag:$0x2] =	stream.indirect.gather [hbm4b:s3+s7], $0x20, s29, s7, $0xb8;
	[tilespmem:$0x1D400] =	vst v63  }
0x59: {  	_ =	swait.ge [sflag:s10], $0x1000  }
0x5a: {  	[sflag:s10] =	ssyncset.done $0x0  }
0x5b: {  	[sflag:s10] =	ssyncadd.s32 $0xFFFFF000  }
0x5c: {  	_ =	swait.ge [sflag:s10], $0x1000  }
0x5d: {  	[sflag:s10] =	ssyncset.done $0x0  }
0x5e: {  	[sflag:s10] =	ssyncadd.s32 $0xFFFFF000  }
0x5f: {  	_ =	swait.ge [sflag:s10], $0x1000  }
0x60: {  	[sflag:s10] =	ssyncset.done $0x0  }
0x61: {  	[sflag:s10] =	ssyncadd.s32 $0xFFFFF000  }
0x62: {  	_ =	swait.ge [sflag:s10], $0x1000  }
0x63: {  	[sflag:s10] =	ssyncset.done $0x0  }
0x64: {  	[sflag:s10] =	ssyncadd.s32 $0xFFFFF000  }
0x65: {  	_ =	swait.ge [sflag:s10], $0x1000  }
0x66: {  	[sflag:s10] =	ssyncset.done $0x0  }
0x67: {  	[sflag:s10] =	ssyncadd.s32 $0xFFFFF000  }
0x68: {  	_ =	swait.ge [sflag:s10], $0x1000  }
0x69: {  	[sflag:s10] =	ssyncset.done $0x0  }
0x6a: {  	[sflag:s10] =	ssyncadd.s32 $0xFFFFF000  }
0x6b: {  	_ =	swait.ge [sflag:s10], $0x1000  }
0x6c: {  	[sflag:s10] =	ssyncset.done $0x0  }
0x6d: {  	[sflag:s10] =	ssyncadd.s32 $0xFFFFF000  }
0x6e: {  	_ =	swait.ge [sflag:s10], $0x1000  }
0x6f: {  	[sflag:s10] =	ssyncset.done $0x0  }
0x70: {  	[sflag:s10] =	ssyncadd.s32 $0xFFFFF000  }
0x71: {  	_ =	swait.ge [sflag:s10], $0x1000  }
0x72: {  	[sflag:s10] =	ssyncset.done $0x0  }
0x73: {  	[sflag:s10] =	ssyncadd.s32 $0xFFFFF000  }
0x74: {  	_ =	swait.ge [sflag:s10], $0x1000  }
0x75: {  	[sflag:s10] =	ssyncset.done $0x0  }
0x76: {  	[sflag:s10] =	ssyncadd.s32 $0xFFFFF000  }
0x77: {  	_ =	swait.ge [sflag:s10], $0x1000  }
0x78: {  	[sflag:s10] =	ssyncset.done $0x0  }
0x79: {  	[sflag:s10] =	ssyncadd.s32 $0xFFFFF000  }
0x7a: {  	_ =	swait.ge [sflag:s10], $0x1000  }
0x7b: {  	[sflag:s10] =	ssyncset.done $0x0  }
0x7c: {  	[sflag:s10] =	ssyncadd.s32 $0xFFFFF000  }
0x7d: {  	_ =	swait.ge [sflag:s10], $0x1000  }
0x7e: {  	s30 =	rddreg [dreg:$0x2];
	[sflag:s10] =	ssyncset.done $0x0  }
0x7f: {  	[sflag:s10] =	ssyncadd.s32 $0xFFFFF000;
	s13 =	sadd.s32 $0x0, s30  }
0x80: {  	[hbm4b:s13+s2] =	stream.linear.scatter [tilespmem:s8], [sflag:$0x3], $0xD000, $0x38;
	[tilespmem:$0x1D400] =	vst v63  }
0x81: {  	_ =	swait.ge [sflag:s6], $0xD000  }
0x82: {  	[sflag:s6] =	ssyncset.done $0x0  }
0x83: {  	[sflag:s6] =	ssyncadd.s32 $0xFFFF3000  }
0x84: {  	_ =	swait.ge [sflag:s11], $0x1000  }
0x85: {  	[sflag:s11] =	ssyncset.done $0x0  }
0x86: {  	[sflag:s11] =	ssyncadd.s32 $0xFFFFF000  }
0x87: {  	_ =	swait.ge [sflag:s11], $0x1000  }
0x88: {  	[sflag:s11] =	ssyncset.done $0x0  }
0x89: {  	[sflag:s11] =	ssyncadd.s32 $0xFFFFF000  }
0x8a: {  	_ =	swait.ge [sflag:s11], $0x1000  }
0x8b: {  	[sflag:s11] =	ssyncset.done $0x0  }
0x8c: {  	[sflag:s11] =	ssyncadd.s32 $0xFFFFF000  }
0x8d: {  	_ =	swait.ge [sflag:s11], $0x1000  }
0x8e: {  	[sflag:s11] =	ssyncset.done $0x0  }
0x8f: {  	[sflag:s11] =	ssyncadd.s32 $0xFFFFF000  }
0x90: {  	_ =	swait.ge [sflag:s11], $0x1000  }
0x91: {  	[sflag:s11] =	ssyncset.done $0x0  }
0x92: {  	[sflag:s11] =	ssyncadd.s32 $0xFFFFF000  }
0x93: {  	_ =	swait.ge [sflag:s11], $0x1000  }
0x94: {  	[sflag:s11] =	ssyncset.done $0x0  }
0x95: {  	[sflag:s11] =	ssyncadd.s32 $0xFFFFF000  }
0x96: {  	_ =	swait.ge [sflag:s11], $0x1000  }
0x97: {  	[sflag:s11] =	ssyncset.done $0x0  }
0x98: {  	[sflag:s11] =	ssyncadd.s32 $0xFFFFF000  }
0x99: {  	_ =	swait.ge [sflag:s11], $0x1000  }
0x9a: {  	[sflag:s11] =	ssyncset.done $0x0  }
0x9b: {  	[sflag:s11] =	ssyncadd.s32 $0xFFFFF000  }
0x9c: {  	_ =	swait.ge [sflag:s11], $0x1000  }
0x9d: {  	[sflag:s11] =	ssyncset.done $0x0  }
0x9e: {  	[sflag:s11] =	ssyncadd.s32 $0xFFFFF000  }
0x9f: {  	_ =	swait.ge [sflag:s11], $0x1000  }
0xa0: {  	[sflag:s11] =	ssyncset.done $0x0  }
0xa1: {  	[sflag:s11] =	ssyncadd.s32 $0xFFFFF000  }
0xa2: {  	_ =	swait.ge [sflag:s11], $0x1000  }
0xa3: {  	[sflag:s11] =	ssyncset.done $0x0  }
0xa4: {  	[sflag:s11] =	ssyncadd.s32 $0xFFFFF000  }
0xa5: {  	_ =	swait.ge [sflag:s11], $0x1000  }
0xa6: {  	[sflag:s11] =	ssyncset.done $0x0  }
0xa7: {  	[sflag:s11] =	ssyncadd.s32 $0xFFFFF000  }
0xa8: {  	_ =	swait.ge [sflag:s11], $0x1000  }
0xa9: {  	s31 =	rddreg [dreg:$0x3];
	[sflag:s11] =	ssyncset.done $0x0  }
0xaa: {  	[sflag:s11] =	ssyncadd.s32 $0xFFFFF000;
	s13 =	sadd.s32 $0x0, s31  }
0xab: {  	[hbm4b:s13+s2] =	stream.linear.scatter [tilespmem:s9], [sflag:$0x3], $0xD000, $0x38;
	[tilespmem:$0x1D400] =	vst v63  }
0xac: {  	s14 =	simm.s32 $0x6800;
	s13 =	simm.s32 $0x3400;
	_ =	swait.ge [sflag:s6], $0xD000  }
.LBB2_2:
0xad: {  	[sflag:s6] =	ssyncset.done $0x0  }
0xae: {  	s16 =	sshra.s32 s13, $0x2;
	[sflag:s6] =	ssyncadd.s32 $0xFFFF3000  }
0xaf: {  	[tilespmem:s8], [sflag:$0x1] =	stream.indirect.gather [hbm4b:s3+s7], $0x20, s16, s7, $0xb8;
	[tilespmem:$0x1D400] =	vst v63  }
0xb0: {  	s17 =	rddreg [dreg:$0x4];
	s18 =	sadd.s32 $0x80, s16  }
0xb1: {  	[tilespmem:s17], [sflag:$0x1] =	stream.indirect.gather [hbm4b:s3+s7], $0x20, s18, s7, $0xb8;
	[tilespmem:$0x1D400] =	vst v63  }
0xb2: {  	s20 =	rddreg [dreg:$0x5];
	s28 =	sadd.s32 $0x100, s16  }
0xb3: {  	[tilespmem:s20], [sflag:$0x1] =	stream.indirect.gather [hbm4b:s3+s7], $0x20, s28, s7, $0xb8;
	[tilespmem:$0x1D400] =	vst v63  }
0xb4: {  	s19 =	rddreg [dreg:$0x6];
	s29 =	sadd.s32 $0x180, s16  }
0xb5: {  	[tilespmem:s19], [sflag:$0x1] =	stream.indirect.gather [hbm4b:s3+s7], $0x20, s29, s7, $0xb8;
	[tilespmem:$0x1D400] =	vst v63  }
0xb6: {  	s31 =	rddreg [dreg:$0x7];
	s30 =	sadd.s32 $0x200, s16  }
0xb7: {  	[tilespmem:s31], [sflag:$0x1] =	stream.indirect.gather [hbm4b:s3+s7], $0x20, s30, s7, $0xb8;
	[tilespmem:$0x1D400] =	vst v63  }
0xb8: {  	s21 =	rddreg [dreg:$0x8];
	s22 =	sadd.s32 $0x280, s16  }
0xb9: {  	[tilespmem:s21], [sflag:$0x1] =	stream.indirect.gather [hbm4b:s3+s7], $0x20, s22, s7, $0xb8;
	[tilespmem:$0x1D400] =	vst v63  }
0xba: {  	s23 =	rddreg [dreg:$0x9];
	s24 =	sadd.s32 $0x300, s16  }
0xbb: {  	[tilespmem:s23], [sflag:$0x1] =	stream.indirect.gather [hbm4b:s3+s7], $0x20, s24, s7, $0xb8;
	[tilespmem:$0x1D400] =	vst v63  }
0xbc: {  	s26 =	rddreg [dreg:$0xa];
	s25 =	sadd.s32 $0x380, s16  }
0xbd: {  	[tilespmem:s26], [sflag:$0x1] =	stream.indirect.gather [hbm4b:s3+s7], $0x20, s25, s7, $0xb8;
	[tilespmem:$0x1D400] =	vst v63  }
0xbe: {  	s28 =	sadd.s32 $0x400, s16;
	s29 =	rddreg [dreg:$0xb]  }
0xbf: {  	[tilespmem:s29], [sflag:$0x1] =	stream.indirect.gather [hbm4b:s3+s7], $0x20, s28, s7, $0xb8;
	[tilespmem:$0x1D400] =	vst v63  }
0xc0: {  	s30 =	sadd.s32 $0x480, s16;
	s31 =	rddreg [dreg:$0xc]  }
0xc1: {  	[tilespmem:s31], [sflag:$0x1] =	stream.indirect.gather [hbm4b:s3+s7], $0x20, s30, s7, $0xb8;
	[tilespmem:$0x1D400] =	vst v63  }
0xc2: {  	s19 =	sadd.s32 $0x500, s16;
	s22 =	rddreg [dreg:$0xd]  }
0xc3: {  	[tilespmem:s22], [sflag:$0x1] =	stream.indirect.gather [hbm4b:s3+s7], $0x20, s19, s7, $0xb8;
	[tilespmem:$0x1D400] =	vst v63  }
0xc4: {  	s20 =	rddreg [dreg:$0xe];
	s23 =	sadd.s32 $0x580, s16  }
0xc5: {  	[tilespmem:s20], [sflag:$0x1] =	stream.indirect.gather [hbm4b:s3+s7], $0x20, s23, s7, $0xb8;
	[tilespmem:$0x1D400] =	vst v63  }
0xc6: {  	s24 =	rddreg [dreg:$0xf];
	s25 =	sadd.s32 $0x600, s16  }
0xc7: {  	[tilespmem:s24], [sflag:$0x1] =	stream.indirect.gather [hbm4b:s3+s7], $0x20, s25, s7, $0xb8;
	[tilespmem:$0x1D400] =	vst v63  }
0xc8: {  	s26 =	sadd.s32 $0x680, s16  }
0xc9: {  	[tilespmem:s9], [sflag:$0x2] =	stream.indirect.gather [hbm4b:s3+s7], $0x20, s26, s7, $0xb8;
	[tilespmem:$0x1D400] =	vst v63  }
0xca: {  	s28 =	sadd.s32 $0x700, s16;
	s29 =	rddreg [dreg:$0x10]  }
0xcb: {  	[tilespmem:s29], [sflag:$0x2] =	stream.indirect.gather [hbm4b:s3+s7], $0x20, s28, s7, $0xb8;
	[tilespmem:$0x1D400] =	vst v63  }
0xcc: {  	s30 =	sadd.s32 $0x780, s16;
	s31 =	rddreg [dreg:$0x11]  }
0xcd: {  	[tilespmem:s31], [sflag:$0x2] =	stream.indirect.gather [hbm4b:s3+s7], $0x20, s30, s7, $0xb8;
	[tilespmem:$0x1D400] =	vst v63  }
0xce: {  	s22 =	rddreg [dreg:$0x12];
	s20 =	sadd.s32 $0x800, s16  }
0xcf: {  	[tilespmem:s22], [sflag:$0x2] =	stream.indirect.gather [hbm4b:s3+s7], $0x20, s20, s7, $0xb8;
	[tilespmem:$0x1D400] =	vst v63  }
0xd0: {  	s23 =	sadd.s32 $0x880, s16;
	s24 =	rddreg [dreg:$0x13]  }
0xd1: {  	[tilespmem:s24], [sflag:$0x2] =	stream.indirect.gather [hbm4b:s3+s7], $0x20, s23, s7, $0xb8;
	[tilespmem:$0x1D400] =	vst v63  }
0xd2: {  	s25 =	sadd.s32 $0x900, s16;
	s26 =	rddreg [dreg:$0x14]  }
0xd3: {  	[tilespmem:s26], [sflag:$0x2] =	stream.indirect.gather [hbm4b:s3+s7], $0x20, s25, s7, $0xb8;
	[tilespmem:$0x1D400] =	vst v63  }
0xd4: {  	s28 =	sadd.s32 $0x980, s16;
	s29 =	rddreg [dreg:$0x15]  }
0xd5: {  	[tilespmem:s29], [sflag:$0x2] =	stream.indirect.gather [hbm4b:s3+s7], $0x20, s28, s7, $0xb8;
	[tilespmem:$0x1D400] =	vst v63  }
0xd6: {  	s30 =	sadd.s32 $0xA00, s16;
	s31 =	rddreg [dreg:$0x16]  }
0xd7: {  	[tilespmem:s31], [sflag:$0x2] =	stream.indirect.gather [hbm4b:s3+s7], $0x20, s30, s7, $0xb8;
	[tilespmem:$0x1D400] =	vst v63  }
0xd8: {  	s21 =	sadd.s32 $0xA80, s16;
	s19 =	rddreg [dreg:$0x17]  }
0xd9: {  	[tilespmem:s19], [sflag:$0x2] =	stream.indirect.gather [hbm4b:s3+s7], $0x20, s21, s7, $0xb8;
	[tilespmem:$0x1D400] =	vst v63  }
0xda: {  	s22 =	rddreg [dreg:$0x18];
	s23 =	sadd.s32 $0xB00, s16  }
0xdb: {  	[tilespmem:s22], [sflag:$0x2] =	stream.indirect.gather [hbm4b:s3+s7], $0x20, s23, s7, $0xb8;
	[tilespmem:$0x1D400] =	vst v63  }
0xdc: {  	s25 =	sadd.s32 $0xB80, s16;
	s26 =	rddreg [dreg:$0x19]  }
0xdd: {  	[tilespmem:s26], [sflag:$0x2] =	stream.indirect.gather [hbm4b:s3+s7], $0x20, s25, s7, $0xb8;
	[tilespmem:$0x1D400] =	vst v63  }
0xde: {  	s24 =	rddreg [dreg:$0x1a];
	s28 =	sadd.s32 $0xC00, s16  }
0xdf: {  	[tilespmem:s24], [sflag:$0x2] =	stream.indirect.gather [hbm4b:s3+s7], $0x20, s28, s7, $0xb8;
	[tilespmem:$0x1D400] =	vst v63  }
0xe0: {  	s16 =	sadd.s32 $0xC80, s16;
	s29 =	rddreg [dreg:$0x1b]  }
0xe1: {  	[tilespmem:s29], [sflag:$0x2] =	stream.indirect.gather [hbm4b:s3+s7], $0x20, s16, s7, $0xb8;
	[tilespmem:$0x1D400] =	vst v63  }
0xe2: {  	_ =	swait.ge [sflag:s10], $0x1000  }
0xe3: {  	[sflag:s10] =	ssyncset.done $0x0  }
0xe4: {  	[sflag:s10] =	ssyncadd.s32 $0xFFFFF000  }
0xe5: {  	_ =	swait.ge [sflag:s10], $0x1000  }
0xe6: {  	[sflag:s10] =	ssyncset.done $0x0  }
0xe7: {  	[sflag:s10] =	ssyncadd.s32 $0xFFFFF000  }
0xe8: {  	_ =	swait.ge [sflag:s10], $0x1000  }
0xe9: {  	[sflag:s10] =	ssyncset.done $0x0  }
0xea: {  	[sflag:s10] =	ssyncadd.s32 $0xFFFFF000  }
0xeb: {  	_ =	swait.ge [sflag:s10], $0x1000  }
0xec: {  	[sflag:s10] =	ssyncset.done $0x0  }
0xed: {  	[sflag:s10] =	ssyncadd.s32 $0xFFFFF000  }
0xee: {  	_ =	swait.ge [sflag:s10], $0x1000  }
0xef: {  	[sflag:s10] =	ssyncset.done $0x0  }
0xf0: {  	[sflag:s10] =	ssyncadd.s32 $0xFFFFF000  }
0xf1: {  	_ =	swait.ge [sflag:s10], $0x1000  }
0xf2: {  	[sflag:s10] =	ssyncset.done $0x0  }
0xf3: {  	[sflag:s10] =	ssyncadd.s32 $0xFFFFF000  }
0xf4: {  	_ =	swait.ge [sflag:s10], $0x1000  }
0xf5: {  	[sflag:s10] =	ssyncset.done $0x0  }
0xf6: {  	[sflag:s10] =	ssyncadd.s32 $0xFFFFF000  }
0xf7: {  	_ =	swait.ge [sflag:s10], $0x1000  }
0xf8: {  	[sflag:s10] =	ssyncset.done $0x0  }
0xf9: {  	[sflag:s10] =	ssyncadd.s32 $0xFFFFF000  }
0xfa: {  	_ =	swait.ge [sflag:s10], $0x1000  }
0xfb: {  	[sflag:s10] =	ssyncset.done $0x0  }
0xfc: {  	[sflag:s10] =	ssyncadd.s32 $0xFFFFF000  }
0xfd: {  	_ =	swait.ge [sflag:s10], $0x1000  }
0xfe: {  	[sflag:s10] =	ssyncset.done $0x0  }
0xff: {  	[sflag:s10] =	ssyncadd.s32 $0xFFFFF000  }
0x100: {  	_ =	swait.ge [sflag:s10], $0x1000  }
0x101: {  	[sflag:s10] =	ssyncset.done $0x0  }
0x102: {  	[sflag:s10] =	ssyncadd.s32 $0xFFFFF000  }
0x103: {  	_ =	swait.ge [sflag:s10], $0x1000  }
0x104: {  	[sflag:s10] =	ssyncset.done $0x0  }
0x105: {  	[sflag:s10] =	ssyncadd.s32 $0xFFFFF000  }
0x106: {  	_ =	swait.ge [sflag:s10], $0x1000  }
0x107: {  	s30 =	rddreg [dreg:$0x2];
	[sflag:s10] =	ssyncset.done $0x0  }
0x108: {  	[sflag:s10] =	ssyncadd.s32 $0xFFFFF000;
	s16 =	sadd.s32 s13, s30  }
0x109: {  	[hbm4b:s16+s2] =	stream.linear.scatter [tilespmem:s8], [sflag:$0x3], $0xD000, $0x38;
	[tilespmem:$0x1D400] =	vst v63  }
0x10a: {  	_ =	swait.ge [sflag:s6], $0xD000  }
0x10b: {  	[sflag:s6] =	ssyncset.done $0x0  }
0x10c: {  	[sflag:s6] =	ssyncadd.s32 $0xFFFF3000  }
0x10d: {  	_ =	swait.ge [sflag:s11], $0x1000  }
0x10e: {  	[sflag:s11] =	ssyncset.done $0x0  }
0x10f: {  	[sflag:s11] =	ssyncadd.s32 $0xFFFFF000  }
0x110: {  	_ =	swait.ge [sflag:s11], $0x1000  }
0x111: {  	[sflag:s11] =	ssyncset.done $0x0  }
0x112: {  	[sflag:s11] =	ssyncadd.s32 $0xFFFFF000  }
0x113: {  	_ =	swait.ge [sflag:s11], $0x1000  }
0x114: {  	[sflag:s11] =	ssyncset.done $0x0  }
0x115: {  	[sflag:s11] =	ssyncadd.s32 $0xFFFFF000  }
0x116: {  	_ =	swait.ge [sflag:s11], $0x1000  }
0x117: {  	[sflag:s11] =	ssyncset.done $0x0  }
0x118: {  	[sflag:s11] =	ssyncadd.s32 $0xFFFFF000  }
0x119: {  	_ =	swait.ge [sflag:s11], $0x1000  }
0x11a: {  	[sflag:s11] =	ssyncset.done $0x0  }
0x11b: {  	[sflag:s11] =	ssyncadd.s32 $0xFFFFF000  }
0x11c: {  	_ =	swait.ge [sflag:s11], $0x1000  }
0x11d: {  	[sflag:s11] =	ssyncset.done $0x0  }
0x11e: {  	[sflag:s11] =	ssyncadd.s32 $0xFFFFF000  }
0x11f: {  	_ =	swait.ge [sflag:s11], $0x1000  }
0x120: {  	[sflag:s11] =	ssyncset.done $0x0  }
0x121: {  	[sflag:s11] =	ssyncadd.s32 $0xFFFFF000  }
0x122: {  	_ =	swait.ge [sflag:s11], $0x1000  }
0x123: {  	[sflag:s11] =	ssyncset.done $0x0  }
0x124: {  	[sflag:s11] =	ssyncadd.s32 $0xFFFFF000  }
0x125: {  	_ =	swait.ge [sflag:s11], $0x1000  }
0x126: {  	[sflag:s11] =	ssyncset.done $0x0  }
0x127: {  	[sflag:s11] =	ssyncadd.s32 $0xFFFFF000  }
0x128: {  	_ =	swait.ge [sflag:s11], $0x1000  }
0x129: {  	[sflag:s11] =	ssyncset.done $0x0  }
0x12a: {  	[sflag:s11] =	ssyncadd.s32 $0xFFFFF000  }
0x12b: {  	_ =	swait.ge [sflag:s11], $0x1000  }
0x12c: {  	[sflag:s11] =	ssyncset.done $0x0  }
0x12d: {  	[sflag:s11] =	ssyncadd.s32 $0xFFFFF000  }
0x12e: {  	_ =	swait.ge [sflag:s11], $0x1000  }
0x12f: {  	[sflag:s11] =	ssyncset.done $0x0  }
0x130: {  	p0 =	sne.s32 s14, $0x9C00;
	[sflag:s11] =	ssyncadd.s32 $0xFFFFF000  }
.Ltmp0:
0x131: {  	_ =	swait.ge [sflag:s11], $0x1000;
	(pc) =	sbr.rel @p0 .LBB2_2-.Ltmp0, $4  }
0x132: {  	s31 =	rddreg [dreg:$0x3];
	[sflag:s11] =	ssyncset.done $0x0  }
0x133: {  	s15 =	smov.u32 s14;
	[sflag:s11] =	ssyncadd.s32 $0xFFFFF000;
	s16 =	sadd.s32 s13, s31  }
0x134: {  	[hbm4b:s16+s2] =	stream.linear.scatter [tilespmem:s9], [sflag:$0x3], $0xD000, $0x38;
	[tilespmem:$0x1D400] =	vst v63  }
0x135: {  	s14 =	sadd.s32 $0x3400, s14;
	s13 =	smov.u32 s15;
	_ =	swait.ge [sflag:s6], $0xD000  }
0x136: {  	[sflag:s6] =	ssyncset.done $0x0  }
0x137: {  	s14 =	sshra.s32 s13, $0x2;
	[sflag:s6] =	ssyncadd.s32 $0xFFFF3000  }
0x138: {  	[tilespmem:s8], [sflag:$0x1] =	stream.indirect.gather [hbm4b:s3+s7], $0x20, s14, s7, $0xb8;
	[tilespmem:$0x1D400] =	vst v63  }
0x139: {  	s15 =	rddreg [dreg:$0x4];
	s16 =	sadd.s32 $0x80, s14  }
0x13a: {  	[tilespmem:s15], [sflag:$0x1] =	stream.indirect.gather [hbm4b:s3+s7], $0x20, s16, s7, $0xb8;
	[tilespmem:$0x1D400] =	vst v63  }
0x13b: {  	s17 =	rddreg [dreg:$0x5];
	s26 =	sadd.s32 $0x100, s14  }
0x13c: {  	[tilespmem:s17], [sflag:$0x1] =	stream.indirect.gather [hbm4b:s3+s7], $0x20, s26, s7, $0xb8;
	[tilespmem:$0x1D400] =	vst v63  }
0x13d: {  	s25 =	rddreg [dreg:$0x6];
	s28 =	sadd.s32 $0x180, s14  }
0x13e: {  	[tilespmem:s25], [sflag:$0x1] =	stream.indirect.gather [hbm4b:s3+s7], $0x20, s28, s7, $0xb8;
	[tilespmem:$0x1D400] =	vst v63  }
0x13f: {  	s29 =	rddreg [dreg:$0x7];
	s31 =	sadd.s32 $0x200, s14  }
0x140: {  	[tilespmem:s29], [sflag:$0x1] =	stream.indirect.gather [hbm4b:s3+s7], $0x20, s31, s7, $0xb8;
	[tilespmem:$0x1D400] =	vst v63  }
0x141: {  	s30 =	rddreg [dreg:$0x8];
	s17 =	sadd.s32 $0x280, s14  }
0x142: {  	[tilespmem:s30], [sflag:$0x1] =	stream.indirect.gather [hbm4b:s3+s7], $0x20, s17, s7, $0xb8;
	[tilespmem:$0x1D400] =	vst v63  }
0x143: {  	s18 =	rddreg [dreg:$0x9];
	s19 =	sadd.s32 $0x300, s14  }
0x144: {  	[tilespmem:s18], [sflag:$0x1] =	stream.indirect.gather [hbm4b:s3+s7], $0x20, s19, s7, $0xb8;
	[tilespmem:$0x1D400] =	vst v63  }
0x145: {  	s20 =	rddreg [dreg:$0xa];
	s21 =	sadd.s32 $0x380, s14  }
0x146: {  	[tilespmem:s20], [sflag:$0x1] =	stream.indirect.gather [hbm4b:s3+s7], $0x20, s21, s7, $0xb8;
	[tilespmem:$0x1D400] =	vst v63  }
0x147: {  	s22 =	rddreg [dreg:$0xb];
	s23 =	sadd.s32 $0x400, s14  }
0x148: {  	[tilespmem:s22], [sflag:$0x1] =	stream.indirect.gather [hbm4b:s3+s7], $0x20, s23, s7, $0xb8;
	[tilespmem:$0x1D400] =	vst v63  }
0x149: {  	s24 =	rddreg [dreg:$0xc];
	s25 =	sadd.s32 $0x480, s14  }
0x14a: {  	[tilespmem:s24], [sflag:$0x1] =	stream.indirect.gather [hbm4b:s3+s7], $0x20, s25, s7, $0xb8;
	[tilespmem:$0x1D400] =	vst v63  }
0x14b: {  	s26 =	rddreg [dreg:$0xd];
	s29 =	sadd.s32 $0x500, s14  }
0x14c: {  	[tilespmem:s26], [sflag:$0x1] =	stream.indirect.gather [hbm4b:s3+s7], $0x20, s29, s7, $0xb8;
	[tilespmem:$0x1D400] =	vst v63  }
0x14d: {  	s28 =	rddreg [dreg:$0xe];
	s30 =	sadd.s32 $0x580, s14  }
0x14e: {  	[tilespmem:s28], [sflag:$0x1] =	stream.indirect.gather [hbm4b:s3+s7], $0x20, s30, s7, $0xb8;
	[tilespmem:$0x1D400] =	vst v63  }
0x14f: {  	s16 =	sadd.s32 $0x600, s14;
	s31 =	rddreg [dreg:$0xf]  }
0x150: {  	[tilespmem:s31], [sflag:$0x1] =	stream.indirect.gather [hbm4b:s3+s7], $0x20, s16, s7, $0xb8;
	[tilespmem:$0x1D400] =	vst v63  }
0x151: {  	s17 =	sadd.s32 $0x680, s14  }
0x152: {  	[tilespmem:s9], [sflag:$0x2] =	stream.indirect.gather [hbm4b:s3+s7], $0x20, s17, s7, $0xb8;
	[tilespmem:$0x1D400] =	vst v63  }
0x153: {  	s18 =	rddreg [dreg:$0x10];
	s19 =	sadd.s32 $0x700, s14  }
0x154: {  	[tilespmem:s18], [sflag:$0x2] =	stream.indirect.gather [hbm4b:s3+s7], $0x20, s19, s7, $0xb8;
	[tilespmem:$0x1D400] =	vst v63  }
0x155: {  	s20 =	rddreg [dreg:$0x11];
	s21 =	sadd.s32 $0x780, s14  }
0x156: {  	[tilespmem:s20], [sflag:$0x2] =	stream.indirect.gather [hbm4b:s3+s7], $0x20, s21, s7, $0xb8;
	[tilespmem:$0x1D400] =	vst v63  }
0x157: {  	s22 =	rddreg [dreg:$0x12];
	s23 =	sadd.s32 $0x800, s14  }
0x158: {  	[tilespmem:s22], [sflag:$0x2] =	stream.indirect.gather [hbm4b:s3+s7], $0x20, s23, s7, $0xb8;
	[tilespmem:$0x1D400] =	vst v63  }
0x159: {  	s24 =	rddreg [dreg:$0x13];
	s25 =	sadd.s32 $0x880, s14  }
0x15a: {  	[tilespmem:s24], [sflag:$0x2] =	stream.indirect.gather [hbm4b:s3+s7], $0x20, s25, s7, $0xb8;
	[tilespmem:$0x1D400] =	vst v63  }
0x15b: {  	s26 =	rddreg [dreg:$0x14];
	s28 =	sadd.s32 $0x900, s14  }
0x15c: {  	[tilespmem:s26], [sflag:$0x2] =	stream.indirect.gather [hbm4b:s3+s7], $0x20, s28, s7, $0xb8;
	[tilespmem:$0x1D400] =	vst v63  }
0x15d: {  	s29 =	rddreg [dreg:$0x15];
	s30 =	sadd.s32 $0x980, s14  }
0x15e: {  	[tilespmem:s29], [sflag:$0x2] =	stream.indirect.gather [hbm4b:s3+s7], $0x20, s30, s7, $0xb8;
	[tilespmem:$0x1D400] =	vst v63  }
0x15f: {  	s31 =	rddreg [dreg:$0x16];
	s19 =	sadd.s32 $0xA00, s14  }
0x160: {  	[tilespmem:s31], [sflag:$0x2] =	stream.indirect.gather [hbm4b:s3+s7], $0x20, s19, s7, $0xb8;
	[tilespmem:$0x1D400] =	vst v63  }
0x161: {  	s18 =	rddreg [dreg:$0x17];
	s20 =	sadd.s32 $0xA80, s14  }
0x162: {  	[tilespmem:s18], [sflag:$0x2] =	stream.indirect.gather [hbm4b:s3+s7], $0x20, s20, s7, $0xb8;
	[tilespmem:$0x1D400] =	vst v63  }
0x163: {  	s21 =	rddreg [dreg:$0x18];
	s22 =	sadd.s32 $0xB00, s14  }
0x164: {  	[tilespmem:s21], [sflag:$0x2] =	stream.indirect.gather [hbm4b:s3+s7], $0x20, s22, s7, $0xb8;
	[tilespmem:$0x1D400] =	vst v63  }
0x165: {  	s23 =	rddreg [dreg:$0x19];
	s25 =	sadd.s32 $0xB80, s14  }
0x166: {  	[tilespmem:s23], [sflag:$0x2] =	stream.indirect.gather [hbm4b:s3+s7], $0x20, s25, s7, $0xb8;
	[tilespmem:$0x1D400] =	vst v63  }
0x167: {  	s24 =	rddreg [dreg:$0x1a];
	s26 =	sadd.s32 $0xC00, s14  }
0x168: {  	[tilespmem:s24], [sflag:$0x2] =	stream.indirect.gather [hbm4b:s3+s7], $0x20, s26, s7, $0xb8;
	[tilespmem:$0x1D400] =	vst v63  }
0x169: {  	s28 =	rddreg [dreg:$0x1b];
	s14 =	sadd.s32 $0xC80, s14  }
0x16a: {  	[tilespmem:s28], [sflag:$0x2] =	stream.indirect.gather [hbm4b:s3+s7], $0x20, s14, s7, $0xb8;
	[tilespmem:$0x1D400] =	vst v63  }
0x16b: {  	_ =	swait.ge [sflag:s10], $0x1000  }
0x16c: {  	[sflag:s10] =	ssyncset.done $0x0  }
0x16d: {  	[sflag:s10] =	ssyncadd.s32 $0xFFFFF000  }
0x16e: {  	_ =	swait.ge [sflag:s10], $0x1000  }
0x16f: {  	[sflag:s10] =	ssyncset.done $0x0  }
0x170: {  	[sflag:s10] =	ssyncadd.s32 $0xFFFFF000  }
0x171: {  	_ =	swait.ge [sflag:s10], $0x1000  }
0x172: {  	[sflag:s10] =	ssyncset.done $0x0  }
0x173: {  	[sflag:s10] =	ssyncadd.s32 $0xFFFFF000  }
0x174: {  	_ =	swait.ge [sflag:s10], $0x1000  }
0x175: {  	[sflag:s10] =	ssyncset.done $0x0  }
0x176: {  	[sflag:s10] =	ssyncadd.s32 $0xFFFFF000  }
0x177: {  	_ =	swait.ge [sflag:s10], $0x1000  }
0x178: {  	[sflag:s10] =	ssyncset.done $0x0  }
0x179: {  	[sflag:s10] =	ssyncadd.s32 $0xFFFFF000  }
0x17a: {  	_ =	swait.ge [sflag:s10], $0x1000  }
0x17b: {  	[sflag:s10] =	ssyncset.done $0x0  }
0x17c: {  	[sflag:s10] =	ssyncadd.s32 $0xFFFFF000  }
0x17d: {  	_ =	swait.ge [sflag:s10], $0x1000  }
0x17e: {  	[sflag:s10] =	ssyncset.done $0x0  }
0x17f: {  	[sflag:s10] =	ssyncadd.s32 $0xFFFFF000  }
0x180: {  	_ =	swait.ge [sflag:s10], $0x1000  }
0x181: {  	[sflag:s10] =	ssyncset.done $0x0  }
0x182: {  	[sflag:s10] =	ssyncadd.s32 $0xFFFFF000  }
0x183: {  	_ =	swait.ge [sflag:s10], $0x1000  }
0x184: {  	[sflag:s10] =	ssyncset.done $0x0  }
0x185: {  	[sflag:s10] =	ssyncadd.s32 $0xFFFFF000  }
0x186: {  	_ =	swait.ge [sflag:s10], $0x1000  }
0x187: {  	[sflag:s10] =	ssyncset.done $0x0  }
0x188: {  	[sflag:s10] =	ssyncadd.s32 $0xFFFFF000  }
0x189: {  	_ =	swait.ge [sflag:s10], $0x1000  }
0x18a: {  	[sflag:s10] =	ssyncset.done $0x0  }
0x18b: {  	[sflag:s10] =	ssyncadd.s32 $0xFFFFF000  }
0x18c: {  	_ =	swait.ge [sflag:s10], $0x1000  }
0x18d: {  	[sflag:s10] =	ssyncset.done $0x0  }
0x18e: {  	[sflag:s10] =	ssyncadd.s32 $0xFFFFF000  }
0x18f: {  	_ =	swait.ge [sflag:s10], $0x1000  }
0x190: {  	s29 =	rddreg [dreg:$0x2];
	[sflag:s10] =	ssyncset.done $0x0  }
0x191: {  	[sflag:s10] =	ssyncadd.s32 $0xFFFFF000;
	s14 =	sadd.s32 s13, s29  }
0x192: {  	[hbm4b:s14+s2] =	stream.linear.scatter [tilespmem:s8], [sflag:$0x3], $0xD000, $0x38;
	[tilespmem:$0x1D400] =	vst v63  }
0x193: {  	_ =	swait.ge [sflag:s6], $0xD000  }
0x194: {  	[sflag:s6] =	ssyncset.done $0x0  }
0x195: {  	[sflag:s6] =	ssyncadd.s32 $0xFFFF3000  }
0x196: {  	_ =	swait.ge [sflag:s11], $0x1000  }
0x197: {  	[sflag:s11] =	ssyncset.done $0x0  }
0x198: {  	[sflag:s11] =	ssyncadd.s32 $0xFFFFF000  }
0x199: {  	_ =	swait.ge [sflag:s11], $0x1000  }
0x19a: {  	[sflag:s11] =	ssyncset.done $0x0  }
0x19b: {  	[sflag:s11] =	ssyncadd.s32 $0xFFFFF000  }
0x19c: {  	_ =	swait.ge [sflag:s11], $0x1000  }
0x19d: {  	[sflag:s11] =	ssyncset.done $0x0  }
0x19e: {  	[sflag:s11] =	ssyncadd.s32 $0xFFFFF000  }
0x19f: {  	_ =	swait.ge [sflag:s11], $0x1000  }
0x1a0: {  	[sflag:s11] =	ssyncset.done $0x0  }
0x1a1: {  	[sflag:s11] =	ssyncadd.s32 $0xFFFFF000  }
0x1a2: {  	_ =	swait.ge [sflag:s11], $0x1000  }
0x1a3: {  	[sflag:s11] =	ssyncset.done $0x0  }
0x1a4: {  	[sflag:s11] =	ssyncadd.s32 $0xFFFFF000  }
0x1a5: {  	_ =	swait.ge [sflag:s11], $0x1000  }
0x1a6: {  	[sflag:s11] =	ssyncset.done $0x0  }
0x1a7: {  	[sflag:s11] =	ssyncadd.s32 $0xFFFFF000  }
0x1a8: {  	_ =	swait.ge [sflag:s11], $0x1000  }
0x1a9: {  	[sflag:s11] =	ssyncset.done $0x0  }
0x1aa: {  	[sflag:s11] =	ssyncadd.s32 $0xFFFFF000  }
0x1ab: {  	_ =	swait.ge [sflag:s11], $0x1000  }
0x1ac: {  	[sflag:s11] =	ssyncset.done $0x0  }
0x1ad: {  	[sflag:s11] =	ssyncadd.s32 $0xFFFFF000  }
0x1ae: {  	_ =	swait.ge [sflag:s11], $0x1000  }
0x1af: {  	[sflag:s11] =	ssyncset.done $0x0  }
0x1b0: {  	[sflag:s11] =	ssyncadd.s32 $0xFFFFF000  }
0x1b1: {  	_ =	swait.ge [sflag:s11], $0x1000  }
0x1b2: {  	[sflag:s11] =	ssyncset.done $0x0  }
0x1b3: {  	[sflag:s11] =	ssyncadd.s32 $0xFFFFF000  }
0x1b4: {  	_ =	swait.ge [sflag:s11], $0x1000  }
0x1b5: {  	[sflag:s11] =	ssyncset.done $0x0  }
0x1b6: {  	[sflag:s11] =	ssyncadd.s32 $0xFFFFF000  }
0x1b7: {  	_ =	swait.ge [sflag:s11], $0x1000  }
0x1b8: {  	[sflag:s11] =	ssyncset.done $0x0  }
0x1b9: {  	[sflag:s11] =	ssyncadd.s32 $0xFFFFF000  }
0x1ba: {  	s12 =	sadd.s32 $0x1, s12;
	_ =	swait.ge [sflag:s11], $0x1000  }
0x1bb: {  	p0 =	sne.s32 s12, s5;
	s30 =	rddreg [dreg:$0x3];
	[sflag:s11] =	ssyncset.done $0x0  }
.Ltmp1:
0x1bc: {  	[sflag:s11] =	ssyncadd.s32 $0xFFFFF000;
	s31 =	sadd.s32 s13, s30;
	(pc) =	sbr.rel @p0 .LBB2_1-.Ltmp1, $4  }
0x1bd: {  	[hbm4b:s31+s2] =	stream.linear.scatter [tilespmem:s9], [sflag:$0x3], $0xD000, $0x38;
	[tilespmem:$0x1D400] =	vst v63  }
0x1be: {  	_ =	swait.ge [sflag:s6], $0xD000  }
0x1bf: {  	[sflag:s6] =	ssyncset.done $0x0  }
0x1c0: {  	[sflag:s6] =	ssyncadd.s32 $0xFFFF3000  }
0x1c1: {  	_ =	sfence.sel $0x180000  }
0x1c2: {  	[bflag:$0x0] =	sbarrier.arrive $0xFFFF  }
0x1c3: {  	p0 =	sne.s32 s0, $0x0;
	_ =	strace $0x90000047  }
0x1c4: {  	s0 =	sadd.s32 @!p0 $0x100000, s1;
	[bflag:$0x2] =	sbarrier.arrive $0xFFFF  }
0x1c5: {  	[sflag:s0] =	ssyncadd.tile.s32 @!p0 $0x1;
	_ =	shalt  }
.Lfunc_end2:
_tile_overlayer_lowered:
.L_overlay_start_2:
0x1c6: {  	(tag) =	ssettag $0x2  }
0x1c7: {  	s0 =	rddreg [dreg:$0x0];
	s2 =	stileid.u32  }
0x1c8: {  	s1 =	rddreg [dreg:$0x1];
	p0 =	sne.s32 s2, $0x0  }
0x1c9: {  	s3 =	rddreg [dreg:$0x2];
	[bflag:$0x3] =	sbarrier.arrive $0xFFFF;
	s2 =	simm.s32 @!p0 $0x1C03  }
0x1ca: {  	[timem:s3], [sflag:s2] =	dma.local @!p0 [hbm:s0], s1  }
0x1cb: {  	s0 =	simm.s32 @!p0 $0x3  }
0x1cc: {  	_ =	swait.ge @!p0 [sflag:s0], s1  }
0x1cd: {  	s1 =	ssub.s32 @!p0 $0x0, s1;
	[sflag:s0] =	ssyncset.done @!p0 $0x0  }
0x1ce: {  	[sflag:s0] =	ssyncadd.s32 @!p0 s1  }
0x1cf: {  	[bflag:$0x3] =	sbarrier.arrive $0xFFFF  }
0x1d0: {  	_ =	shalt  }

</sc_bundles>
